<compile_context>
chip_gen: v7x
topology: tpu7x:2x2x1
jax: 0.10.2.dev20260603
libtpu: 0.0.44.dev20260713+nightly
codegen_flags: <defaults>
</compile_context>

<pallas_src>
import functools

import jax
import jax.numpy as jnp
from jax import lax
from jax.experimental import pallas as pl
from jax.experimental.pallas import tpu as pltpu
from jax.experimental.pallas import tpu_sc as plsc

N = 10000
D_IN = 128
D_OUT = 128
BR = 400
NBLK = N // BR
_LANES = 16

ROWS_MAIN = 312
ROWS_LAST = 328
CHUNK0 = 160


def _tc_body(ppr_ref, x_ref, wt_ref, b_ref, h_ref, val_ref, idx_ref):
    blk = ppr_ref[...]
    maxv = jnp.max(blk, axis=1)
    iota = lax.broadcasted_iota(jnp.int32, (1, N), 1)
    cand = jnp.where(blk == maxv[:, None], iota, N)
    idx = jnp.min(cand, axis=1)
    val_ref[0, 0, :] = maxv
    idx_ref[0, 0, :] = idx
    h_ref[...] = (
        jnp.dot(x_ref[...], wt_ref[...], preferred_element_type=jnp.float32)
        + b_ref[...]
    )


_tc_call = pl.pallas_call(
    _tc_body,
    grid=(NBLK,),
    in_specs=[
        pl.BlockSpec((BR, N), lambda i: (i, 0)),
        pl.BlockSpec((BR, D_IN), lambda i: (i, 0)),
        pl.BlockSpec((D_IN, D_OUT), lambda i: (0, 0)),
        pl.BlockSpec((1, D_OUT), lambda i: (0, 0)),
    ],
    out_specs=[
        pl.BlockSpec((BR, D_OUT), lambda i: (i, 0)),
        pl.BlockSpec((1, 1, BR), lambda i: (i, 0, 0)),
        pl.BlockSpec((1, 1, BR), lambda i: (i, 0, 0)),
    ],
    out_shape=[
        jax.ShapeDtypeStruct((N, D_OUT), jnp.float32),
        jax.ShapeDtypeStruct((NBLK, 1, BR), jnp.float32),
        jax.ShapeDtypeStruct((NBLK, 1, BR), jnp.int32),
    ],
)


@functools.cache
def _get_sc_gather_scale():
    @functools.partial(
        pl.kernel,
        out_type=jax.ShapeDtypeStruct((N, D_OUT), jnp.float32),
        mesh=plsc.VectorSubcoreMesh(core_axis_name="c", subcore_axis_name="s"),
        scratch_types=[
            pltpu.VMEM((ROWS_LAST,), jnp.int32),
            pltpu.VMEM((ROWS_LAST + _LANES,), jnp.float32),
            pltpu.VMEM((ROWS_LAST, D_OUT), jnp.float32),
            pltpu.SemaphoreType.DMA,
            pltpu.SemaphoreType.DMA,
            pltpu.SemaphoreType.DMA,
            pltpu.SemaphoreType.DMA,
        ],
    )
    def _sc_gather_scale(
        h_hbm, idx_hbm, val_hbm, out_hbm, idx_v, val_v, rows_v, sg0, sg1, so0, so1
    ):
        wid = lax.axis_index("s") * 2 + lax.axis_index("c")
        base = wid * ROWS_MAIN

        def stage(rows):
            n1 = CHUNK0
            n2 = rows - CHUNK0
            pltpu.sync_copy(idx_hbm.at[pl.ds(base, rows)], idx_v.at[pl.ds(0, rows)])
            g0 = pltpu.async_copy(
                h_hbm.at[idx_v.at[pl.ds(0, n1)]], rows_v.at[pl.ds(0, n1)], sg0
            )
            g1 = pltpu.async_copy(
                h_hbm.at[idx_v.at[pl.ds(n1, n2)]], rows_v.at[pl.ds(n1, n2)], sg1
            )
            pltpu.sync_copy(val_hbm.at[pl.ds(base, rows)], val_v.at[pl.ds(0, rows)])

            def scale(lo, hi):
                @plsc.parallel_loop(lo, hi, step=1, unroll=4)
                def _scale(r):
                    vchunk = val_v[pl.ds(r, _LANES)]
                    w = jnp.full((_LANES,), vchunk[0], jnp.float32)
                    for j in range(D_OUT // _LANES):
                        sl = pl.ds(j * _LANES, _LANES)
                        rows_v[r, sl] = rows_v[r, sl] * w

            g0.wait()
            scale(0, n1)
            o0 = pltpu.async_copy(
                rows_v.at[pl.ds(0, n1)], out_hbm.at[pl.ds(base, n1)], so0
            )
            g1.wait()
            scale(n1, n1 + n2)
            o1 = pltpu.async_copy(
                rows_v.at[pl.ds(n1, n2)], out_hbm.at[pl.ds(base + n1, n2)], so1
            )
            o0.wait()
            o1.wait()

        @pl.when(wid == 31)
        def _():
            stage(ROWS_LAST)

        @pl.when(wid != 31)
        def _():
            stage(ROWS_MAIN)

    return _sc_gather_scale


def kernel(x, ppr_info, W, b):
    wt = W.T
    b2 = b.reshape(1, D_OUT)
    H, val3, idx3 = _tc_call(ppr_info, x, wt, b2)
    val = val3.reshape(N)
    idx = idx3.reshape(N)
    return _get_sc_gather_scale()(H, idx, val)

# --- scband reference (transcript-rebuilt; emitter-appended) ---
"""Pipeline reference for scband-pprgo-29429115912534 (READ-ONLY COPY).

The authoritative reference and input builder live on the scoring server;
editing this copy changes nothing except your own understanding.
"""

import jax, jax.numpy as jnp
import numpy as np

K = 3
N = 10000
D_IN = 128
D_OUT = 128

def setup_inputs(seed: int = 0) -> dict:
    key = jax.random.key(seed)
    k1, k2, k3, k4 = jax.random.split(key, 4)
    x = jax.random.normal(k1, (N, D_IN), dtype=jnp.float32)
    ppr_info = jax.random.uniform(k2, (N, N), dtype=jnp.float32)
    W = jax.random.normal(k3, (D_OUT, D_IN), dtype=jnp.float32) * (1.0 / np.sqrt(D_IN))
    b = jax.random.normal(k4, (D_OUT,), dtype=jnp.float32) * 0.01
    return {"x": x, "ppr_info": ppr_info, "W": W, "b": b}

def reference(x, ppr_info, W, b):
    # H = f_theta(x) : nn.Linear(x_in, x_out)
    H = x @ W.T + b
    # torch.argmax(ppr_info, dim=1, keepdim=True)[:, :K] -> shape [N, 1] (argmax keepdim
    # yields a single column, so slicing [:, :K] still leaves 1 column; faithful to source)
    topk_idxs = jnp.argmax(ppr_info, axis=1, keepdims=True)[:, :K]  # [N, 1]
    # ppr_info.gather(1, topk_idxs)
    topk_matrix = jnp.take_along_axis(ppr_info, topk_idxs, axis=1)  # [N, 1]
    topk_matrix = topk_matrix[..., None]  # [N, 1, 1]
    # H[topk_idxs] -> advanced indexing, [N, 1, D_OUT]
    topk_h = H[topk_idxs]
    Z = (topk_matrix * topk_h).sum(axis=-2)  # [N, D_OUT]
    return Z

if __name__ == "__main__":
    import jax
    _d = setup_inputs()
    print(jax.jit(kernel)(*tuple(_d.values())))

</pallas_src>

<mosaic_0001>
#map = affine_map<(d0, d1) -> (0, 0)>
#map1 = affine_map<(d0, d1) -> (0)>
module attributes {stable_mosaic.version = 14 : i64} {
  func.func @_sc_gather_scale(%arg0: i32, %arg1: i32, %arg2: memref<10000x128xf32, #tpu.memory_space<hbm>>, %arg3: memref<10000xi32, #tpu.memory_space<hbm>>, %arg4: memref<10000xf32, #tpu.memory_space<hbm>>, %arg5: memref<10000x128xf32, #tpu.memory_space<hbm>>, %arg6: memref<328xi32, #tpu.memory_space<vmem>>, %arg7: memref<344xf32, #tpu.memory_space<vmem>>, %arg8: memref<328x128xf32, #tpu.memory_space<vmem>>, %arg9: memref<!tpu.dma_semaphore, #tpu.memory_space<semaphore_mem>>, %arg10: memref<!tpu.dma_semaphore, #tpu.memory_space<semaphore_mem>>, %arg11: memref<!tpu.dma_semaphore, #tpu.memory_space<semaphore_mem>>, %arg12: memref<!tpu.dma_semaphore, #tpu.memory_space<semaphore_mem>>) attributes {dimension_semantics = [#tpu.dimension_semantics<core_parallel>, #tpu.dimension_semantics<subcore_parallel>], iteration_bounds = array<i64: 2, 16>, scalar_prefetch = 0 : i64, scratch_operands = 7 : i64, tpu.core_type = #tpu.core_type<sc_vector_subcore>, window_params = [{transform_indices = #map}, {transform_indices = #map1}, {transform_indices = #map1}, {transform_indices = #map}]} {
    %mul3A = arith.constant 2 : i32
    %mul3A_0 = arith.muli %arg1, %mul3A : i32
    %add3A = arith.addi %mul3A_0, %arg0 : i32
    %mul3A_1 = arith.constant 312 : i32
    %mul3A_2 = arith.muli %add3A, %mul3A_1 : i32
    %eq3A = arith.constant 31 : i32
    %eq3A_3 = arith.cmpi eq, %add3A, %eq3A : i32
    %convert_element_type3A = arith.extui %eq3A_3 : i1 to i32
    %cond3A = arith.constant 0 : i32
    %cond3A_4 = arith.cmpi ne, %convert_element_type3A, %cond3A : i32
    scf.if %cond3A_4 {
      "tpu.region"() ({
        %run_scoped3A = tpu.sem_alloc : memref<!tpu.dma_semaphore, #tpu.memory_space<semaphore_mem>>
        %dma_start3A_86 = arith.constant 0 : i32
        %dma_start3A_87 = tpu.memref_slice %arg6[%dma_start3A_86] : memref<328xi32, #tpu.memory_space<vmem>> -> memref<328xi32, #tpu.memory_space<vmem>>
        %dma_start3A_88 = tpu.memref_slice %arg3[%mul3A_2] : memref<10000xi32, #tpu.memory_space<hbm>> -> memref<328xi32, #tpu.memory_space<hbm>>
        %dma_start3A_89 = arith.constant 0 : i32
        %dma_start3A_90 = tpu.memref_slice %arg6[%dma_start3A_89] : memref<328xi32, #tpu.memory_space<vmem>> -> memref<328xi32, #tpu.memory_space<vmem>>
        %dma_start3A_91 = tpu.memref_slice %arg3[%mul3A_2] : memref<10000xi32, #tpu.memory_space<hbm>> -> memref<328xi32, #tpu.memory_space<hbm>>
        tpu.enqueue_dma source(%dma_start3A_91 : memref<328xi32, #tpu.memory_space<hbm>>) target(%dma_start3A_90 : memref<328xi32, #tpu.memory_space<vmem>>) target_semaphore(%run_scoped3A : memref<!tpu.dma_semaphore, #tpu.memory_space<semaphore_mem>>)
        %dma_wait3A_92 = arith.constant 0 : i32
        %dma_wait3A_93 = tpu.memref_slice %arg6[%dma_wait3A_92] : memref<328xi32, #tpu.memory_space<vmem>> -> memref<328xi32, #tpu.memory_space<vmem>>
        %dma_wait3A_94 = tpu.memref_slice %arg3[%mul3A_2] : memref<10000xi32, #tpu.memory_space<hbm>> -> memref<328xi32, #tpu.memory_space<hbm>>
        %dma_wait3A_95 = arith.constant 0 : i32
        %dma_wait3A_96 = tpu.memref_slice %arg6[%dma_wait3A_95] : memref<328xi32, #tpu.memory_space<vmem>> -> memref<328xi32, #tpu.memory_space<vmem>>
        %dma_wait3A_97 = tpu.memref_slice %arg3[%mul3A_2] : memref<10000xi32, #tpu.memory_space<hbm>> -> memref<328xi32, #tpu.memory_space<hbm>>
        tpu.wait_dma2 semaphore(%run_scoped3A : memref<!tpu.dma_semaphore, #tpu.memory_space<semaphore_mem>>) src(%dma_wait3A_97 : memref<328xi32, #tpu.memory_space<hbm>>) dst(%dma_wait3A_96 : memref<328xi32, #tpu.memory_space<vmem>>)
        tpu.yield
      }) : () -> ()
      %dma_start3A = arith.constant 0 : i32
      %dma_start3A_9 = arith.constant 0 : i32
      %dma_start3A_10 = tpu.memref_slice %arg8[%dma_start3A, %dma_start3A_9] : memref<328x128xf32, #tpu.memory_space<vmem>> -> memref<160x128xf32, #tpu.memory_space<vmem>>
      %dma_start3A_11 = arith.constant 0 : i32
      %dma_start3A_12 = tpu.memref_slice %arg6[%dma_start3A_11] : memref<328xi32, #tpu.memory_space<vmem>> -> memref<160xi32, #tpu.memory_space<vmem>>
      %dma_start3A_13 = arith.constant 0 : i32
      %dma_start3A_14 = arith.constant 0 : i32
      %dma_start3A_15 = tpu.memref_slice %arg2[%dma_start3A_13, %dma_start3A_14] : memref<10000x128xf32, #tpu.memory_space<hbm>> -> memref<10000x128xf32, #tpu.memory_space<hbm>>
      tpu.enqueue_indirect_dma source(%dma_start3A_15 : memref<10000x128xf32, #tpu.memory_space<hbm>>) target(%dma_start3A_10 : memref<160x128xf32, #tpu.memory_space<vmem>>) offsets(%dma_start3A_12 : memref<160xi32, #tpu.memory_space<vmem>>) semaphore(%arg9 : memref<!tpu.dma_semaphore, #tpu.memory_space<semaphore_mem>>)
      %dma_start3A_16 = arith.constant 160 : i32
      %dma_start3A_17 = arith.constant 0 : i32
      %dma_start3A_18 = tpu.memref_slice %arg8[%dma_start3A_16, %dma_start3A_17] : memref<328x128xf32, #tpu.memory_space<vmem>> -> memref<168x128xf32, #tpu.memory_space<vmem>>
      %dma_start3A_19 = arith.constant 160 : i32
      %dma_start3A_20 = tpu.memref_slice %arg6[%dma_start3A_19] : memref<328xi32, #tpu.memory_space<vmem>> -> memref<168xi32, #tpu.memory_space<vmem>>
      %dma_start3A_21 = arith.constant 0 : i32
      %dma_start3A_22 = arith.constant 0 : i32
      %dma_start3A_23 = tpu.memref_slice %arg2[%dma_start3A_21, %dma_start3A_22] : memref<10000x128xf32, #tpu.memory_space<hbm>> -> memref<10000x128xf32, #tpu.memory_space<hbm>>
      tpu.enqueue_indirect_dma source(%dma_start3A_23 : memref<10000x128xf32, #tpu.memory_space<hbm>>) target(%dma_start3A_18 : memref<168x128xf32, #tpu.memory_space<vmem>>) offsets(%dma_start3A_20 : memref<168xi32, #tpu.memory_space<vmem>>) semaphore(%arg10 : memref<!tpu.dma_semaphore, #tpu.memory_space<semaphore_mem>>)
      "tpu.region"() ({
        %run_scoped3A = tpu.sem_alloc : memref<!tpu.dma_semaphore, #tpu.memory_space<semaphore_mem>>
        %dma_start3A_86 = arith.constant 0 : i32
        %dma_start3A_87 = tpu.memref_slice %arg7[%dma_start3A_86] : memref<344xf32, #tpu.memory_space<vmem>> -> memref<328xf32, #tpu.memory_space<vmem>>
        %dma_start3A_88 = tpu.memref_slice %arg4[%mul3A_2] : memref<10000xf32, #tpu.memory_space<hbm>> -> memref<328xf32, #tpu.memory_space<hbm>>
        %dma_start3A_89 = arith.constant 0 : i32
        %dma_start3A_90 = tpu.memref_slice %arg7[%dma_start3A_89] : memref<344xf32, #tpu.memory_space<vmem>> -> memref<328xf32, #tpu.memory_space<vmem>>
        %dma_start3A_91 = tpu.memref_slice %arg4[%mul3A_2] : memref<10000xf32, #tpu.memory_space<hbm>> -> memref<328xf32, #tpu.memory_space<hbm>>
        tpu.enqueue_dma source(%dma_start3A_91 : memref<328xf32, #tpu.memory_space<hbm>>) target(%dma_start3A_90 : memref<328xf32, #tpu.memory_space<vmem>>) target_semaphore(%run_scoped3A : memref<!tpu.dma_semaphore, #tpu.memory_space<semaphore_mem>>)
        %dma_wait3A_92 = arith.constant 0 : i32
        %dma_wait3A_93 = tpu.memref_slice %arg7[%dma_wait3A_92] : memref<344xf32, #tpu.memory_space<vmem>> -> memref<328xf32, #tpu.memory_space<vmem>>
        %dma_wait3A_94 = tpu.memref_slice %arg4[%mul3A_2] : memref<10000xf32, #tpu.memory_space<hbm>> -> memref<328xf32, #tpu.memory_space<hbm>>
        %dma_wait3A_95 = arith.constant 0 : i32
        %dma_wait3A_96 = tpu.memref_slice %arg7[%dma_wait3A_95] : memref<344xf32, #tpu.memory_space<vmem>> -> memref<328xf32, #tpu.memory_space<vmem>>
        %dma_wait3A_97 = tpu.memref_slice %arg4[%mul3A_2] : memref<10000xf32, #tpu.memory_space<hbm>> -> memref<328xf32, #tpu.memory_space<hbm>>
        tpu.wait_dma2 semaphore(%run_scoped3A : memref<!tpu.dma_semaphore, #tpu.memory_space<semaphore_mem>>) src(%dma_wait3A_97 : memref<328xf32, #tpu.memory_space<hbm>>) dst(%dma_wait3A_96 : memref<328xf32, #tpu.memory_space<vmem>>)
        tpu.yield
      }) : () -> ()
      %dma_wait3A = arith.constant 0 : i32
      %dma_wait3A_24 = arith.constant 0 : i32
      %dma_wait3A_25 = tpu.memref_slice %arg8[%dma_wait3A, %dma_wait3A_24] : memref<328x128xf32, #tpu.memory_space<vmem>> -> memref<160x128xf32, #tpu.memory_space<vmem>>
      %dma_wait3A_26 = arith.constant 0 : i32
      %dma_wait3A_27 = tpu.memref_slice %arg6[%dma_wait3A_26] : memref<328xi32, #tpu.memory_space<vmem>> -> memref<160xi32, #tpu.memory_space<vmem>>
      %dma_wait3A_28 = arith.constant 0 : i32
      %dma_wait3A_29 = arith.constant 0 : i32
      %dma_wait3A_30 = tpu.memref_slice %arg2[%dma_wait3A_28, %dma_wait3A_29] : memref<10000x128xf32, #tpu.memory_space<hbm>> -> memref<10000x128xf32, #tpu.memory_space<hbm>>
      tpu.wait_indirect_dma semaphore(%arg9 : memref<!tpu.dma_semaphore, #tpu.memory_space<semaphore_mem>>) src(%dma_wait3A_30 : memref<10000x128xf32, #tpu.memory_space<hbm>>) dst(%dma_wait3A_25 : memref<160x128xf32, #tpu.memory_space<vmem>>)
      %parallel_loop3A = arith.constant 0 : i32
      %parallel_loop3A_31 = arith.constant 160 : i32
      %parallel_loop3A_32 = arith.constant 1 : i32
      scf.for %parallel_loop3A_86 = %parallel_loop3A to %parallel_loop3A_31 step %parallel_loop3A_32  : i32 {
        %parallel_loop3A_87 = arith.index_cast %parallel_loop3A_86 : i32 to index
        %parallel_loop3A_88 = tpu.vector_load %arg7[%parallel_loop3A_87] {strides = array<i32>} : memref<344xf32, #tpu.memory_space<vmem>>, vector<16xf32>,
        %parallel_loop3A_89 = vector.shape_cast %parallel_loop3A_88 : vector<16xf32> to vector<16xf32>
        %parallel_loop3A_90 = vector.extract_strided_slice %parallel_loop3A_89 {offsets = [0], sizes = [1], strides = [1]} : vector<16xf32> to vector<1xf32>
        %parallel_loop3A_91 = vector.extract %parallel_loop3A_90[0] : f32 from vector<1xf32>
        %parallel_loop3A_92 = vector.broadcast %parallel_loop3A_91 : f32 to vector<16xf32>
        %parallel_loop3A_93 = arith.index_cast %parallel_loop3A_86 : i32 to index
        %parallel_loop3A_94 = arith.constant 0 : index
        %parallel_loop3A_95 = tpu.vector_load %arg8[%parallel_loop3A_93, %parallel_loop3A_94] {strides = array<i32>} : memref<328x128xf32, #tpu.memory_space<vmem>>, vector<1x16xf32>,
        %parallel_loop3A_96 = vector.shape_cast %parallel_loop3A_95 : vector<1x16xf32> to vector<16xf32>
        %parallel_loop3A_97 = arith.mulf %parallel_loop3A_96, %parallel_loop3A_92 : vector<16xf32>
        %parallel_loop3A_98 = arith.index_cast %parallel_loop3A_86 : i32 to index
        %parallel_loop3A_99 = arith.constant 0 : index
        %parallel_loop3A_100 = tpu.vector_load %arg8[%parallel_loop3A_98, %parallel_loop3A_99] {strides = array<i32>} : memref<328x128xf32, #tpu.memory_space<vmem>>, vector<1x16xf32>,
        %parallel_loop3A_101 = vector.shape_cast %parallel_loop3A_100 : vector<1x16xf32> to vector<16xf32>
        %parallel_loop3A_102 = vector.shape_cast %parallel_loop3A_97 : vector<16xf32> to vector<1x16xf32>
        tpu.vector_store %arg8[%parallel_loop3A_98, %parallel_loop3A_99], %parallel_loop3A_102 {strides = array<i32>} : memref<328x128xf32, #tpu.memory_space<vmem>>, vector<1x16xf32>,
        %parallel_loop3A_103 = arith.index_cast %parallel_loop3A_86 : i32 to index
        %parallel_loop3A_104 = arith.constant 16 : index
        %parallel_loop3A_105 = tpu.vector_load %arg8[%parallel_loop3A_103, %parallel_loop3A_104] {strides = array<i32>} : memref<328x128xf32, #tpu.memory_space<vmem>>, vector<1x16xf32>,
        %parallel_loop3A_106 = vector.shape_cast %parallel_loop3A_105 : vector<1x16xf32> to vector<16xf32>
        %parallel_loop3A_107 = arith.mulf %parallel_loop3A_106, %parallel_loop3A_92 : vector<16xf32>
        %parallel_loop3A_108 = arith.index_cast %parallel_loop3A_86 : i32 to index
        %parallel_loop3A_109 = arith.constant 16 : index
        %parallel_loop3A_110 = tpu.vector_load %arg8[%parallel_loop3A_108, %parallel_loop3A_109] {strides = array<i32>} : memref<328x128xf32, #tpu.memory_space<vmem>>, vector<1x16xf32>,
        %parallel_loop3A_111 = vector.shape_cast %parallel_loop3A_110 : vector<1x16xf32> to vector<16xf32>
        %parallel_loop3A_112 = vector.shape_cast %parallel_loop3A_107 : vector<16xf32> to vector<1x16xf32>
        tpu.vector_store %arg8[%parallel_loop3A_108, %parallel_loop3A_109], %parallel_loop3A_112 {strides = array<i32>} : memref<328x128xf32, #tpu.memory_space<vmem>>, vector<1x16xf32>,
        %parallel_loop3A_113 = arith.index_cast %parallel_loop3A_86 : i32 to index
        %parallel_loop3A_114 = arith.constant 32 : index
        %parallel_loop3A_115 = tpu.vector_load %arg8[%parallel_loop3A_113, %parallel_loop3A_114] {strides = array<i32>} : memref<328x128xf32, #tpu.memory_space<vmem>>, vector<1x16xf32>,
        %parallel_loop3A_116 = vector.shape_cast %parallel_loop3A_115 : vector<1x16xf32> to vector<16xf32>
        %parallel_loop3A_117 = arith.mulf %parallel_loop3A_116, %parallel_loop3A_92 : vector<16xf32>
        %parallel_loop3A_118 = arith.index_cast %parallel_loop3A_86 : i32 to index
        %parallel_loop3A_119 = arith.constant 32 : index
        %parallel_loop3A_120 = tpu.vector_load %arg8[%parallel_loop3A_118, %parallel_loop3A_119] {strides = array<i32>} : memref<328x128xf32, #tpu.memory_space<vmem>>, vector<1x16xf32>,
        %parallel_loop3A_121 = vector.shape_cast %parallel_loop3A_120 : vector<1x16xf32> to vector<16xf32>
        %parallel_loop3A_122 = vector.shape_cast %parallel_loop3A_117 : vector<16xf32> to vector<1x16xf32>
        tpu.vector_store %arg8[%parallel_loop3A_118, %parallel_loop3A_119], %parallel_loop3A_122 {strides = array<i32>} : memref<328x128xf32, #tpu.memory_space<vmem>>, vector<1x16xf32>,
        %parallel_loop3A_123 = arith.index_cast %parallel_loop3A_86 : i32 to index
        %parallel_loop3A_124 = arith.constant 48 : index
        %parallel_loop3A_125 = tpu.vector_load %arg8[%parallel_loop3A_123, %parallel_loop3A_124] {strides = array<i32>} : memref<328x128xf32, #tpu.memory_space<vmem>>, vector<1x16xf32>,
        %parallel_loop3A_126 = vector.shape_cast %parallel_loop3A_125 : vector<1x16xf32> to vector<16xf32>
        %parallel_loop3A_127 = arith.mulf %parallel_loop3A_126, %parallel_loop3A_92 : vector<16xf32>
        %parallel_loop3A_128 = arith.index_cast %parallel_loop3A_86 : i32 to index
        %parallel_loop3A_129 = arith.constant 48 : index
        %parallel_loop3A_130 = tpu.vector_load %arg8[%parallel_loop3A_128, %parallel_loop3A_129] {strides = array<i32>} : memref<328x128xf32, #tpu.memory_space<vmem>>, vector<1x16xf32>,
        %parallel_loop3A_131 = vector.shape_cast %parallel_loop3A_130 : vector<1x16xf32> to vector<16xf32>
        %parallel_loop3A_132 = vector.shape_cast %parallel_loop3A_127 : vector<16xf32> to vector<1x16xf32>
        tpu.vector_store %arg8[%parallel_loop3A_128, %parallel_loop3A_129], %parallel_loop3A_132 {strides = array<i32>} : memref<328x128xf32, #tpu.memory_space<vmem>>, vector<1x16xf32>,
        %parallel_loop3A_133 = arith.index_cast %parallel_loop3A_86 : i32 to index
        %parallel_loop3A_134 = arith.constant 64 : index
        %parallel_loop3A_135 = tpu.vector_load %arg8[%parallel_loop3A_133, %parallel_loop3A_134] {strides = array<i32>} : memref<328x128xf32, #tpu.memory_space<vmem>>, vector<1x16xf32>,
        %parallel_loop3A_136 = vector.shape_cast %parallel_loop3A_135 : vector<1x16xf32> to vector<16xf32>
        %parallel_loop3A_137 = arith.mulf %parallel_loop3A_136, %parallel_loop3A_92 : vector<16xf32>
        %parallel_loop3A_138 = arith.index_cast %parallel_loop3A_86 : i32 to index
        %parallel_loop3A_139 = arith.constant 64 : index
        %parallel_loop3A_140 = tpu.vector_load %arg8[%parallel_loop3A_138, %parallel_loop3A_139] {strides = array<i32>} : memref<328x128xf32, #tpu.memory_space<vmem>>, vector<1x16xf32>,
        %parallel_loop3A_141 = vector.shape_cast %parallel_loop3A_140 : vector<1x16xf32> to vector<16xf32>
        %parallel_loop3A_142 = vector.shape_cast %parallel_loop3A_137 : vector<16xf32> to vector<1x16xf32>
        tpu.vector_store %arg8[%parallel_loop3A_138, %parallel_loop3A_139], %parallel_loop3A_142 {strides = array<i32>} : memref<328x128xf32, #tpu.memory_space<vmem>>, vector<1x16xf32>,
        %parallel_loop3A_143 = arith.index_cast %parallel_loop3A_86 : i32 to index
        %parallel_loop3A_144 = arith.constant 80 : index
        %parallel_loop3A_145 = tpu.vector_load %arg8[%parallel_loop3A_143, %parallel_loop3A_144] {strides = array<i32>} : memref<328x128xf32, #tpu.memory_space<vmem>>, vector<1x16xf32>,
        %parallel_loop3A_146 = vector.shape_cast %parallel_loop3A_145 : vector<1x16xf32> to vector<16xf32>
        %parallel_loop3A_147 = arith.mulf %parallel_loop3A_146, %parallel_loop3A_92 : vector<16xf32>
        %parallel_loop3A_148 = arith.index_cast %parallel_loop3A_86 : i32 to index
        %parallel_loop3A_149 = arith.constant 80 : index
        %parallel_loop3A_150 = tpu.vector_load %arg8[%parallel_loop3A_148, %parallel_loop3A_149] {strides = array<i32>} : memref<328x128xf32, #tpu.memory_space<vmem>>, vector<1x16xf32>,
        %parallel_loop3A_151 = vector.shape_cast %parallel_loop3A_150 : vector<1x16xf32> to vector<16xf32>
        %parallel_loop3A_152 = vector.shape_cast %parallel_loop3A_147 : vector<16xf32> to vector<1x16xf32>
        tpu.vector_store %arg8[%parallel_loop3A_148, %parallel_loop3A_149], %parallel_loop3A_152 {strides = array<i32>} : memref<328x128xf32, #tpu.memory_space<vmem>>, vector<1x16xf32>,
        %parallel_loop3A_153 = arith.index_cast %parallel_loop3A_86 : i32 to index
        %parallel_loop3A_154 = arith.constant 96 : index
        %parallel_loop3A_155 = tpu.vector_load %arg8[%parallel_loop3A_153, %parallel_loop3A_154] {strides = array<i32>} : memref<328x128xf32, #tpu.memory_space<vmem>>, vector<1x16xf32>,
        %parallel_loop3A_156 = vector.shape_cast %parallel_loop3A_155 : vector<1x16xf32> to vector<16xf32>
        %parallel_loop3A_157 = arith.mulf %parallel_loop3A_156, %parallel_loop3A_92 : vector<16xf32>
        %parallel_loop3A_158 = arith.index_cast %parallel_loop3A_86 : i32 to index
        %parallel_loop3A_159 = arith.constant 96 : index
        %parallel_loop3A_160 = tpu.vector_load %arg8[%parallel_loop3A_158, %parallel_loop3A_159] {strides = array<i32>} : memref<328x128xf32, #tpu.memory_space<vmem>>, vector<1x16xf32>,
        %parallel_loop3A_161 = vector.shape_cast %parallel_loop3A_160 : vector<1x16xf32> to vector<16xf32>
        %parallel_loop3A_162 = vector.shape_cast %parallel_loop3A_157 : vector<16xf32> to vector<1x16xf32>
        tpu.vector_store %arg8[%parallel_loop3A_158, %parallel_loop3A_159], %parallel_loop3A_162 {strides = array<i32>} : memref<328x128xf32, #tpu.memory_space<vmem>>, vector<1x16xf32>,
        %parallel_loop3A_163 = arith.index_cast %parallel_loop3A_86 : i32 to index
        %parallel_loop3A_164 = arith.constant 112 : index
        %parallel_loop3A_165 = tpu.vector_load %arg8[%parallel_loop3A_163, %parallel_loop3A_164] {strides = array<i32>} : memref<328x128xf32, #tpu.memory_space<vmem>>, vector<1x16xf32>,
        %parallel_loop3A_166 = vector.shape_cast %parallel_loop3A_165 : vector<1x16xf32> to vector<16xf32>
        %parallel_loop3A_167 = arith.mulf %parallel_loop3A_166, %parallel_loop3A_92 : vector<16xf32>
        %parallel_loop3A_168 = arith.index_cast %parallel_loop3A_86 : i32 to index
        %parallel_loop3A_169 = arith.constant 112 : index
        %parallel_loop3A_170 = tpu.vector_load %arg8[%parallel_loop3A_168, %parallel_loop3A_169] {strides = array<i32>} : memref<328x128xf32, #tpu.memory_space<vmem>>, vector<1x16xf32>,
        %parallel_loop3A_171 = vector.shape_cast %parallel_loop3A_170 : vector<1x16xf32> to vector<16xf32>
        %parallel_loop3A_172 = vector.shape_cast %parallel_loop3A_167 : vector<16xf32> to vector<1x16xf32>
        tpu.vector_store %arg8[%parallel_loop3A_168, %parallel_loop3A_169], %parallel_loop3A_172 {strides = array<i32>} : memref<328x128xf32, #tpu.memory_space<vmem>>, vector<1x16xf32>,
      } {sc.loop_unroll_factor = 4 : i64, sc.parallel_access}
      %dma_start3A_33 = arith.constant 0 : i32
      %dma_start3A_34 = arith.constant 0 : i32
      %dma_start3A_35 = tpu.memref_slice %arg8[%dma_start3A_33, %dma_start3A_34] : memref<328x128xf32, #tpu.memory_space<vmem>> -> memref<160x128xf32, #tpu.memory_space<vmem>>
      %dma_start3A_36 = arith.constant 0 : i32
      %dma_start3A_37 = tpu.memref_slice %arg5[%mul3A_2, %dma_start3A_36] : memref<10000x128xf32, #tpu.memory_space<hbm>> -> memref<160x128xf32, #tpu.memory_space<hbm>>
      %dma_start3A_38 = arith.constant 0 : i32
      %dma_start3A_39 = tpu.memref_slice %arg5[%mul3A_2, %dma_start3A_38] : memref<10000x128xf32, #tpu.memory_space<hbm>> -> memref<160x128xf32, #tpu.memory_space<hbm>>
      %dma_start3A_40 = arith.constant 0 : i32
      %dma_start3A_41 = arith.constant 0 : i32
      %dma_start3A_42 = tpu.memref_slice %arg8[%dma_start3A_40, %dma_start3A_41] : memref<328x128xf32, #tpu.memory_space<vmem>> -> memref<160x128xf32, #tpu.memory_space<vmem>>
      tpu.enqueue_dma source(%dma_start3A_42 : memref<160x128xf32, #tpu.memory_space<vmem>>) target(%dma_start3A_39 : memref<160x128xf32, #tpu.memory_space<hbm>>) target_semaphore(%arg11 : memref<!tpu.dma_semaphore, #tpu.memory_space<semaphore_mem>>)
      %dma_wait3A_43 = arith.constant 160 : i32
      %dma_wait3A_44 = arith.constant 0 : i32
      %dma_wait3A_45 = tpu.memref_slice %arg8[%dma_wait3A_43, %dma_wait3A_44] : memref<328x128xf32, #tpu.memory_space<vmem>> -> memref<168x128xf32, #tpu.memory_space<vmem>>
      %dma_wait3A_46 = arith.constant 160 : i32
      %dma_wait3A_47 = tpu.memref_slice %arg6[%dma_wait3A_46] : memref<328xi32, #tpu.memory_space<vmem>> -> memref<168xi32, #tpu.memory_space<vmem>>
      %dma_wait3A_48 = arith.constant 0 : i32
      %dma_wait3A_49 = arith.constant 0 : i32
      %dma_wait3A_50 = tpu.memref_slice %arg2[%dma_wait3A_48, %dma_wait3A_49] : memref<10000x128xf32, #tpu.memory_space<hbm>> -> memref<10000x128xf32, #tpu.memory_space<hbm>>
      tpu.wait_indirect_dma semaphore(%arg10 : memref<!tpu.dma_semaphore, #tpu.memory_space<semaphore_mem>>) src(%dma_wait3A_50 : memref<10000x128xf32, #tpu.memory_space<hbm>>) dst(%dma_wait3A_45 : memref<168x128xf32, #tpu.memory_space<vmem>>)
      %parallel_loop3A_51 = arith.constant 160 : i32
      %parallel_loop3A_52 = arith.constant 328 : i32
      %parallel_loop3A_53 = arith.constant 1 : i32
      scf.for %parallel_loop3A_86 = %parallel_loop3A_51 to %parallel_loop3A_52 step %parallel_loop3A_53  : i32 {
        %parallel_loop3A_87 = arith.index_cast %parallel_loop3A_86 : i32 to index
        %parallel_loop3A_88 = tpu.vector_load %arg7[%parallel_loop3A_87] {strides = array<i32>} : memref<344xf32, #tpu.memory_space<vmem>>, vector<16xf32>,
        %parallel_loop3A_89 = vector.shape_cast %parallel_loop3A_88 : vector<16xf32> to vector<16xf32>
        %parallel_loop3A_90 = vector.extract_strided_slice %parallel_loop3A_89 {offsets = [0], sizes = [1], strides = [1]} : vector<16xf32> to vector<1xf32>
        %parallel_loop3A_91 = vector.extract %parallel_loop3A_90[0] : f32 from vector<1xf32>
        %parallel_loop3A_92 = vector.broadcast %parallel_loop3A_91 : f32 to vector<16xf32>
        %parallel_loop3A_93 = arith.index_cast %parallel_loop3A_86 : i32 to index
        %parallel_loop3A_94 = arith.constant 0 : index
        %parallel_loop3A_95 = tpu.vector_load %arg8[%parallel_loop3A_93, %parallel_loop3A_94] {strides = array<i32>} : memref<328x128xf32, #tpu.memory_space<vmem>>, vector<1x16xf32>,
        %parallel_loop3A_96 = vector.shape_cast %parallel_loop3A_95 : vector<1x16xf32> to vector<16xf32>
        %parallel_loop3A_97 = arith.mulf %parallel_loop3A_96, %parallel_loop3A_92 : vector<16xf32>
        %parallel_loop3A_98 = arith.index_cast %parallel_loop3A_86 : i32 to index
        %parallel_loop3A_99 = arith.constant 0 : index
        %parallel_loop3A_100 = tpu.vector_load %arg8[%parallel_loop3A_98, %parallel_loop3A_99] {strides = array<i32>} : memref<328x128xf32, #tpu.memory_space<vmem>>, vector<1x16xf32>,
        %parallel_loop3A_101 = vector.shape_cast %parallel_loop3A_100 : vector<1x16xf32> to vector<16xf32>
        %parallel_loop3A_102 = vector.shape_cast %parallel_loop3A_97 : vector<16xf32> to vector<1x16xf32>
        tpu.vector_store %arg8[%parallel_loop3A_98, %parallel_loop3A_99], %parallel_loop3A_102 {strides = array<i32>} : memref<328x128xf32, #tpu.memory_space<vmem>>, vector<1x16xf32>,
        %parallel_loop3A_103 = arith.index_cast %parallel_loop3A_86 : i32 to index
        %parallel_loop3A_104 = arith.constant 16 : index
        %parallel_loop3A_105 = tpu.vector_load %arg8[%parallel_loop3A_103, %parallel_loop3A_104] {strides = array<i32>} : memref<328x128xf32, #tpu.memory_space<vmem>>, vector<1x16xf32>,
        %parallel_loop3A_106 = vector.shape_cast %parallel_loop3A_105 : vector<1x16xf32> to vector<16xf32>
        %parallel_loop3A_107 = arith.mulf %parallel_loop3A_106, %parallel_loop3A_92 : vector<16xf32>
        %parallel_loop3A_108 = arith.index_cast %parallel_loop3A_86 : i32 to index
        %parallel_loop3A_109 = arith.constant 16 : index
        %parallel_loop3A_110 = tpu.vector_load %arg8[%parallel_loop3A_108, %parallel_loop3A_109] {strides = array<i32>} : memref<328x128xf32, #tpu.memory_space<vmem>>, vector<1x16xf32>,
        %parallel_loop3A_111 = vector.shape_cast %parallel_loop3A_110 : vector<1x16xf32> to vector<16xf32>
        %parallel_loop3A_112 = vector.shape_cast %parallel_loop3A_107 : vector<16xf32> to vector<1x16xf32>
        tpu.vector_store %arg8[%parallel_loop3A_108, %parallel_loop3A_109], %parallel_loop3A_112 {strides = array<i32>} : memref<328x128xf32, #tpu.memory_space<vmem>>, vector<1x16xf32>,
        %parallel_loop3A_113 = arith.index_cast %parallel_loop3A_86 : i32 to index
        %parallel_loop3A_114 = arith.constant 32 : index
        %parallel_loop3A_115 = tpu.vector_load %arg8[%parallel_loop3A_113, %parallel_loop3A_114] {strides = array<i32>} : memref<328x128xf32, #tpu.memory_space<vmem>>, vector<1x16xf32>,
        %parallel_loop3A_116 = vector.shape_cast %parallel_loop3A_115 : vector<1x16xf32> to vector<16xf32>
        %parallel_loop3A_117 = arith.mulf %parallel_loop3A_116, %parallel_loop3A_92 : vector<16xf32>
        %parallel_loop3A_118 = arith.index_cast %parallel_loop3A_86 : i32 to index
        %parallel_loop3A_119 = arith.constant 32 : index
        %parallel_loop3A_120 = tpu.vector_load %arg8[%parallel_loop3A_118, %parallel_loop3A_119] {strides = array<i32>} : memref<328x128xf32, #tpu.memory_space<vmem>>, vector<1x16xf32>,
        %parallel_loop3A_121 = vector.shape_cast %parallel_loop3A_120 : vector<1x16xf32> to vector<16xf32>
        %parallel_loop3A_122 = vector.shape_cast %parallel_loop3A_117 : vector<16xf32> to vector<1x16xf32>
        tpu.vector_store %arg8[%parallel_loop3A_118, %parallel_loop3A_119], %parallel_loop3A_122 {strides = array<i32>} : memref<328x128xf32, #tpu.memory_space<vmem>>, vector<1x16xf32>,
        %parallel_loop3A_123 = arith.index_cast %parallel_loop3A_86 : i32 to index
        %parallel_loop3A_124 = arith.constant 48 : index
        %parallel_loop3A_125 = tpu.vector_load %arg8[%parallel_loop3A_123, %parallel_loop3A_124] {strides = array<i32>} : memref<328x128xf32, #tpu.memory_space<vmem>>, vector<1x16xf32>,
        %parallel_loop3A_126 = vector.shape_cast %parallel_loop3A_125 : vector<1x16xf32> to vector<16xf32>
        %parallel_loop3A_127 = arith.mulf %parallel_loop3A_126, %parallel_loop3A_92 : vector<16xf32>
        %parallel_loop3A_128 = arith.index_cast %parallel_loop3A_86 : i32 to index
        %parallel_loop3A_129 = arith.constant 48 : index
        %parallel_loop3A_130 = tpu.vector_load %arg8[%parallel_loop3A_128, %parallel_loop3A_129] {strides = array<i32>} : memref<328x128xf32, #tpu.memory_space<vmem>>, vector<1x16xf32>,
        %parallel_loop3A_131 = vector.shape_cast %parallel_loop3A_130 : vector<1x16xf32> to vector<16xf32>
        %parallel_loop3A_132 = vector.shape_cast %parallel_loop3A_127 : vector<16xf32> to vector<1x16xf32>
        tpu.vector_store %arg8[%parallel_loop3A_128, %parallel_loop3A_129], %parallel_loop3A_132 {strides = array<i32>} : memref<328x128xf32, #tpu.memory_space<vmem>>, vector<1x16xf32>,
        %parallel_loop3A_133 = arith.index_cast %parallel_loop3A_86 : i32 to index
        %parallel_loop3A_134 = arith.constant 64 : index
        %parallel_loop3A_135 = tpu.vector_load %arg8[%parallel_loop3A_133, %parallel_loop3A_134] {strides = array<i32>} : memref<328x128xf32, #tpu.memory_space<vmem>>, vector<1x16xf32>,
        %parallel_loop3A_136 = vector.shape_cast %parallel_loop3A_135 : vector<1x16xf32> to vector<16xf32>
        %parallel_loop3A_137 = arith.mulf %parallel_loop3A_136, %parallel_loop3A_92 : vector<16xf32>
        %parallel_loop3A_138 = arith.index_cast %parallel_loop3A_86 : i32 to index
        %parallel_loop3A_139 = arith.constant 64 : index
        %parallel_loop3A_140 = tpu.vector_load %arg8[%parallel_loop3A_138, %parallel_loop3A_139] {strides = array<i32>} : memref<328x128xf32, #tpu.memory_space<vmem>>, vector<1x16xf32>,
        %parallel_loop3A_141 = vector.shape_cast %parallel_loop3A_140 : vector<1x16xf32> to vector<16xf32>
        %parallel_loop3A_142 = vector.shape_cast %parallel_loop3A_137 : vector<16xf32> to vector<1x16xf32>
        tpu.vector_store %arg8[%parallel_loop3A_138, %parallel_loop3A_139], %parallel_loop3A_142 {strides = array<i32>} : memref<328x128xf32, #tpu.memory_space<vmem>>, vector<1x16xf32>,
        %parallel_loop3A_143 = arith.index_cast %parallel_loop3A_86 : i32 to index
        %parallel_loop3A_144 = arith.constant 80 : index
        %parallel_loop3A_145 = tpu.vector_load %arg8[%parallel_loop3A_143, %parallel_loop3A_144] {strides = array<i32>} : memref<328x128xf32, #tpu.memory_space<vmem>>, vector<1x16xf32>,
        %parallel_loop3A_146 = vector.shape_cast %parallel_loop3A_145 : vector<1x16xf32> to vector<16xf32>
        %parallel_loop3A_147 = arith.mulf %parallel_loop3A_146, %parallel_loop3A_92 : vector<16xf32>
        %parallel_loop3A_148 = arith.index_cast %parallel_loop3A_86 : i32 to index
        %parallel_loop3A_149 = arith.constant 80 : index
        %parallel_loop3A_150 = tpu.vector_load %arg8[%parallel_loop3A_148, %parallel_loop3A_149] {strides = array<i32>} : memref<328x128xf32, #tpu.memory_space<vmem>>, vector<1x16xf32>,
        %parallel_loop3A_151 = vector.shape_cast %parallel_loop3A_150 : vector<1x16xf32> to vector<16xf32>
        %parallel_loop3A_152 = vector.shape_cast %parallel_loop3A_147 : vector<16xf32> to vector<1x16xf32>
        tpu.vector_store %arg8[%parallel_loop3A_148, %parallel_loop3A_149], %parallel_loop3A_152 {strides = array<i32>} : memref<328x128xf32, #tpu.memory_space<vmem>>, vector<1x16xf32>,
        %parallel_loop3A_153 = arith.index_cast %parallel_loop3A_86 : i32 to index
        %parallel_loop3A_154 = arith.constant 96 : index
        %parallel_loop3A_155 = tpu.vector_load %arg8[%parallel_loop3A_153, %parallel_loop3A_154] {strides = array<i32>} : memref<328x128xf32, #tpu.memory_space<vmem>>, vector<1x16xf32>,
        %parallel_loop3A_156 = vector.shape_cast %parallel_loop3A_155 : vector<1x16xf32> to vector<16xf32>
        %parallel_loop3A_157 = arith.mulf %parallel_loop3A_156, %parallel_loop3A_92 : vector<16xf32>
        %parallel_loop3A_158 = arith.index_cast %parallel_loop3A_86 : i32 to index
        %parallel_loop3A_159 = arith.constant 96 : index
        %parallel_loop3A_160 = tpu.vector_load %arg8[%parallel_loop3A_158, %parallel_loop3A_159] {strides = array<i32>} : memref<328x128xf32, #tpu.memory_space<vmem>>, vector<1x16xf32>,
        %parallel_loop3A_161 = vector.shape_cast %parallel_loop3A_160 : vector<1x16xf32> to vector<16xf32>
        %parallel_loop3A_162 = vector.shape_cast %parallel_loop3A_157 : vector<16xf32> to vector<1x16xf32>
        tpu.vector_store %arg8[%parallel_loop3A_158, %parallel_loop3A_159], %parallel_loop3A_162 {strides = array<i32>} : memref<328x128xf32, #tpu.memory_space<vmem>>, vector<1x16xf32>,
        %parallel_loop3A_163 = arith.index_cast %parallel_loop3A_86 : i32 to index
        %parallel_loop3A_164 = arith.constant 112 : index
        %parallel_loop3A_165 = tpu.vector_load %arg8[%parallel_loop3A_163, %parallel_loop3A_164] {strides = array<i32>} : memref<328x128xf32, #tpu.memory_space<vmem>>, vector<1x16xf32>,
        %parallel_loop3A_166 = vector.shape_cast %parallel_loop3A_165 : vector<1x16xf32> to vector<16xf32>
        %parallel_loop3A_167 = arith.mulf %parallel_loop3A_166, %parallel_loop3A_92 : vector<16xf32>
        %parallel_loop3A_168 = arith.index_cast %parallel_loop3A_86 : i32 to index
        %parallel_loop3A_169 = arith.constant 112 : index
        %parallel_loop3A_170 = tpu.vector_load %arg8[%parallel_loop3A_168, %parallel_loop3A_169] {strides = array<i32>} : memref<328x128xf32, #tpu.memory_space<vmem>>, vector<1x16xf32>,
        %parallel_loop3A_171 = vector.shape_cast %parallel_loop3A_170 : vector<1x16xf32> to vector<16xf32>
        %parallel_loop3A_172 = vector.shape_cast %parallel_loop3A_167 : vector<16xf32> to vector<1x16xf32>
        tpu.vector_store %arg8[%parallel_loop3A_168, %parallel_loop3A_169], %parallel_loop3A_172 {strides = array<i32>} : memref<328x128xf32, #tpu.memory_space<vmem>>, vector<1x16xf32>,
      } {sc.loop_unroll_factor = 4 : i64, sc.parallel_access}
      %add3A_54 = arith.constant 160 : i32
      %add3A_55 = arith.addi %mul3A_2, %add3A_54 : i32
      %dma_start3A_56 = arith.constant 160 : i32
      %dma_start3A_57 = arith.constant 0 : i32
      %dma_start3A_58 = tpu.memref_slice %arg8[%dma_start3A_56, %dma_start3A_57] : memref<328x128xf32, #tpu.memory_space<vmem>> -> memref<168x128xf32, #tpu.memory_space<vmem>>
      %dma_start3A_59 = arith.constant 0 : i32
      %dma_start3A_60 = tpu.memref_slice %arg5[%add3A_55, %dma_start3A_59] : memref<10000x128xf32, #tpu.memory_space<hbm>> -> memref<168x128xf32, #tpu.memory_space<hbm>>
      %dma_start3A_61 = arith.constant 0 : i32
      %dma_start3A_62 = tpu.memref_slice %arg5[%add3A_55, %dma_start3A_61] : memref<10000x128xf32, #tpu.memory_space<hbm>> -> memref<168x128xf32, #tpu.memory_space<hbm>>
      %dma_start3A_63 = arith.constant 160 : i32
      %dma_start3A_64 = arith.constant 0 : i32
      %dma_start3A_65 = tpu.memref_slice %arg8[%dma_start3A_63, %dma_start3A_64] : memref<328x128xf32, #tpu.memory_space<vmem>> -> memref<168x128xf32, #tpu.memory_space<vmem>>
      tpu.enqueue_dma source(%dma_start3A_65 : memref<168x128xf32, #tpu.memory_space<vmem>>) target(%dma_start3A_62 : memref<168x128xf32, #tpu.memory_space<hbm>>) target_semaphore(%arg12 : memref<!tpu.dma_semaphore, #tpu.memory_space<semaphore_mem>>)
      %dma_wait3A_66 = arith.constant 0 : i32
      %dma_wait3A_67 = arith.constant 0 : i32
      %dma_wait3A_68 = tpu.memref_slice %arg8[%dma_wait3A_66, %dma_wait3A_67] : memref<328x128xf32, #tpu.memory_space<vmem>> -> memref<160x128xf32, #tpu.memory_space<vmem>>
      %dma_wait3A_69 = arith.constant 0 : i32
      %dma_wait3A_70 = tpu.memref_slice %arg5[%mul3A_2, %dma_wait3A_69] : memref<10000x128xf32, #tpu.memory_space<hbm>> -> memref<160x128xf32, #tpu.memory_space<hbm>>
      %dma_wait3A_71 = arith.constant 0 : i32
      %dma_wait3A_72 = tpu.memref_slice %arg5[%mul3A_2, %dma_wait3A_71] : memref<10000x128xf32, #tpu.memory_space<hbm>> -> memref<160x128xf32, #tpu.memory_space<hbm>>
      %dma_wait3A_73 = arith.constant 0 : i32
      %dma_wait3A_74 = arith.constant 0 : i32
      %dma_wait3A_75 = tpu.memref_slice %arg8[%dma_wait3A_73, %dma_wait3A_74] : memref<328x128xf32, #tpu.memory_space<vmem>> -> memref<160x128xf32, #tpu.memory_space<vmem>>
      tpu.wait_dma2 semaphore(%arg11 : memref<!tpu.dma_semaphore, #tpu.memory_space<semaphore_mem>>) src(%dma_wait3A_75 : memref<160x128xf32, #tpu.memory_space<vmem>>) dst(%dma_wait3A_72 : memref<160x128xf32, #tpu.memory_space<hbm>>)
      %dma_wait3A_76 = arith.constant 160 : i32
      %dma_wait3A_77 = arith.constant 0 : i32
      %dma_wait3A_78 = tpu.memref_slice %arg8[%dma_wait3A_76, %dma_wait3A_77] : memref<328x128xf32, #tpu.memory_space<vmem>> -> memref<168x128xf32, #tpu.memory_space<vmem>>
      %dma_wait3A_79 = arith.constant 0 : i32
      %dma_wait3A_80 = tpu.memref_slice %arg5[%add3A_55, %dma_wait3A_79] : memref<10000x128xf32, #tpu.memory_space<hbm>> -> memref<168x128xf32, #tpu.memory_space<hbm>>
      %dma_wait3A_81 = arith.constant 0 : i32
      %dma_wait3A_82 = tpu.memref_slice %arg5[%add3A_55, %dma_wait3A_81] : memref<10000x128xf32, #tpu.memory_space<hbm>> -> memref<168x128xf32, #tpu.memory_space<hbm>>
      %dma_wait3A_83 = arith.constant 160 : i32
      %dma_wait3A_84 = arith.constant 0 : i32
      %dma_wait3A_85 = tpu.memref_slice %arg8[%dma_wait3A_83, %dma_wait3A_84] : memref<328x128xf32, #tpu.memory_space<vmem>> -> memref<168x128xf32, #tpu.memory_space<vmem>>
      tpu.wait_dma2 semaphore(%arg12 : memref<!tpu.dma_semaphore, #tpu.memory_space<semaphore_mem>>) src(%dma_wait3A_85 : memref<168x128xf32, #tpu.memory_space<vmem>>) dst(%dma_wait3A_82 : memref<168x128xf32, #tpu.memory_space<hbm>>)
    } else {
    }
    %ne3A = arith.constant 31 : i32
    %ne3A_5 = arith.cmpi ne, %add3A, %ne3A : i32
    %convert_element_type3A_6 = arith.extui %ne3A_5 : i1 to i32
    %cond3A_7 = arith.constant 0 : i32
    %cond3A_8 = arith.cmpi ne, %convert_element_type3A_6, %cond3A_7 : i32
    scf.if %cond3A_8 {
      "tpu.region"() ({
        %run_scoped3A = tpu.sem_alloc : memref<!tpu.dma_semaphore, #tpu.memory_space<semaphore_mem>>
        %dma_start3A_86 = arith.constant 0 : i32
        %dma_start3A_87 = tpu.memref_slice %arg6[%dma_start3A_86] : memref<328xi32, #tpu.memory_space<vmem>> -> memref<312xi32, #tpu.memory_space<vmem>>
        %dma_start3A_88 = tpu.memref_slice %arg3[%mul3A_2] : memref<10000xi32, #tpu.memory_space<hbm>> -> memref<312xi32, #tpu.memory_space<hbm>>
        %dma_start3A_89 = arith.constant 0 : i32
        %dma_start3A_90 = tpu.memref_slice %arg6[%dma_start3A_89] : memref<328xi32, #tpu.memory_space<vmem>> -> memref<312xi32, #tpu.memory_space<vmem>>
        %dma_start3A_91 = tpu.memref_slice %arg3[%mul3A_2] : memref<10000xi32, #tpu.memory_space<hbm>> -> memref<312xi32, #tpu.memory_space<hbm>>
        tpu.enqueue_dma source(%dma_start3A_91 : memref<312xi32, #tpu.memory_space<hbm>>) target(%dma_start3A_90 : memref<312xi32, #tpu.memory_space<vmem>>) target_semaphore(%run_scoped3A : memref<!tpu.dma_semaphore, #tpu.memory_space<semaphore_mem>>)
        %dma_wait3A_92 = arith.constant 0 : i32
        %dma_wait3A_93 = tpu.memref_slice %arg6[%dma_wait3A_92] : memref<328xi32, #tpu.memory_space<vmem>> -> memref<312xi32, #tpu.memory_space<vmem>>
        %dma_wait3A_94 = tpu.memref_slice %arg3[%mul3A_2] : memref<10000xi32, #tpu.memory_space<hbm>> -> memref<312xi32, #tpu.memory_space<hbm>>
        %dma_wait3A_95 = arith.constant 0 : i32
        %dma_wait3A_96 = tpu.memref_slice %arg6[%dma_wait3A_95] : memref<328xi32, #tpu.memory_space<vmem>> -> memref<312xi32, #tpu.memory_space<vmem>>
        %dma_wait3A_97 = tpu.memref_slice %arg3[%mul3A_2] : memref<10000xi32, #tpu.memory_space<hbm>> -> memref<312xi32, #tpu.memory_space<hbm>>
        tpu.wait_dma2 semaphore(%run_scoped3A : memref<!tpu.dma_semaphore, #tpu.memory_space<semaphore_mem>>) src(%dma_wait3A_97 : memref<312xi32, #tpu.memory_space<hbm>>) dst(%dma_wait3A_96 : memref<312xi32, #tpu.memory_space<vmem>>)
        tpu.yield
      }) : () -> ()
      %dma_start3A = arith.constant 0 : i32
      %dma_start3A_9 = arith.constant 0 : i32
      %dma_start3A_10 = tpu.memref_slice %arg8[%dma_start3A, %dma_start3A_9] : memref<328x128xf32, #tpu.memory_space<vmem>> -> memref<160x128xf32, #tpu.memory_space<vmem>>
      %dma_start3A_11 = arith.constant 0 : i32
      %dma_start3A_12 = tpu.memref_slice %arg6[%dma_start3A_11] : memref<328xi32, #tpu.memory_space<vmem>> -> memref<160xi32, #tpu.memory_space<vmem>>
      %dma_start3A_13 = arith.constant 0 : i32
      %dma_start3A_14 = arith.constant 0 : i32
      %dma_start3A_15 = tpu.memref_slice %arg2[%dma_start3A_13, %dma_start3A_14] : memref<10000x128xf32, #tpu.memory_space<hbm>> -> memref<10000x128xf32, #tpu.memory_space<hbm>>
      tpu.enqueue_indirect_dma source(%dma_start3A_15 : memref<10000x128xf32, #tpu.memory_space<hbm>>) target(%dma_start3A_10 : memref<160x128xf32, #tpu.memory_space<vmem>>) offsets(%dma_start3A_12 : memref<160xi32, #tpu.memory_space<vmem>>) semaphore(%arg9 : memref<!tpu.dma_semaphore, #tpu.memory_space<semaphore_mem>>)
      %dma_start3A_16 = arith.constant 160 : i32
      %dma_start3A_17 = arith.constant 0 : i32
      %dma_start3A_18 = tpu.memref_slice %arg8[%dma_start3A_16, %dma_start3A_17] : memref<328x128xf32, #tpu.memory_space<vmem>> -> memref<152x128xf32, #tpu.memory_space<vmem>>
      %dma_start3A_19 = arith.constant 160 : i32
      %dma_start3A_20 = tpu.memref_slice %arg6[%dma_start3A_19] : memref<328xi32, #tpu.memory_space<vmem>> -> memref<152xi32, #tpu.memory_space<vmem>>
      %dma_start3A_21 = arith.constant 0 : i32
      %dma_start3A_22 = arith.constant 0 : i32
      %dma_start3A_23 = tpu.memref_slice %arg2[%dma_start3A_21, %dma_start3A_22] : memref<10000x128xf32, #tpu.memory_space<hbm>> -> memref<10000x128xf32, #tpu.memory_space<hbm>>
      tpu.enqueue_indirect_dma source(%dma_start3A_23 : memref<10000x128xf32, #tpu.memory_space<hbm>>) target(%dma_start3A_18 : memref<152x128xf32, #tpu.memory_space<vmem>>) offsets(%dma_start3A_20 : memref<152xi32, #tpu.memory_space<vmem>>) semaphore(%arg10 : memref<!tpu.dma_semaphore, #tpu.memory_space<semaphore_mem>>)
      "tpu.region"() ({
        %run_scoped3A = tpu.sem_alloc : memref<!tpu.dma_semaphore, #tpu.memory_space<semaphore_mem>>
        %dma_start3A_86 = arith.constant 0 : i32
        %dma_start3A_87 = tpu.memref_slice %arg7[%dma_start3A_86] : memref<344xf32, #tpu.memory_space<vmem>> -> memref<312xf32, #tpu.memory_space<vmem>>
        %dma_start3A_88 = tpu.memref_slice %arg4[%mul3A_2] : memref<10000xf32, #tpu.memory_space<hbm>> -> memref<312xf32, #tpu.memory_space<hbm>>
        %dma_start3A_89 = arith.constant 0 : i32
        %dma_start3A_90 = tpu.memref_slice %arg7[%dma_start3A_89] : memref<344xf32, #tpu.memory_space<vmem>> -> memref<312xf32, #tpu.memory_space<vmem>>
        %dma_start3A_91 = tpu.memref_slice %arg4[%mul3A_2] : memref<10000xf32, #tpu.memory_space<hbm>> -> memref<312xf32, #tpu.memory_space<hbm>>
        tpu.enqueue_dma source(%dma_start3A_91 : memref<312xf32, #tpu.memory_space<hbm>>) target(%dma_start3A_90 : memref<312xf32, #tpu.memory_space<vmem>>) target_semaphore(%run_scoped3A : memref<!tpu.dma_semaphore, #tpu.memory_space<semaphore_mem>>)
        %dma_wait3A_92 = arith.constant 0 : i32
        %dma_wait3A_93 = tpu.memref_slice %arg7[%dma_wait3A_92] : memref<344xf32, #tpu.memory_space<vmem>> -> memref<312xf32, #tpu.memory_space<vmem>>
        %dma_wait3A_94 = tpu.memref_slice %arg4[%mul3A_2] : memref<10000xf32, #tpu.memory_space<hbm>> -> memref<312xf32, #tpu.memory_space<hbm>>
        %dma_wait3A_95 = arith.constant 0 : i32
        %dma_wait3A_96 = tpu.memref_slice %arg7[%dma_wait3A_95] : memref<344xf32, #tpu.memory_space<vmem>> -> memref<312xf32, #tpu.memory_space<vmem>>
        %dma_wait3A_97 = tpu.memref_slice %arg4[%mul3A_2] : memref<10000xf32, #tpu.memory_space<hbm>> -> memref<312xf32, #tpu.memory_space<hbm>>
        tpu.wait_dma2 semaphore(%run_scoped3A : memref<!tpu.dma_semaphore, #tpu.memory_space<semaphore_mem>>) src(%dma_wait3A_97 : memref<312xf32, #tpu.memory_space<hbm>>) dst(%dma_wait3A_96 : memref<312xf32, #tpu.memory_space<vmem>>)
        tpu.yield
      }) : () -> ()
      %dma_wait3A = arith.constant 0 : i32
      %dma_wait3A_24 = arith.constant 0 : i32
      %dma_wait3A_25 = tpu.memref_slice %arg8[%dma_wait3A, %dma_wait3A_24] : memref<328x128xf32, #tpu.memory_space<vmem>> -> memref<160x128xf32, #tpu.memory_space<vmem>>
      %dma_wait3A_26 = arith.constant 0 : i32
      %dma_wait3A_27 = tpu.memref_slice %arg6[%dma_wait3A_26] : memref<328xi32, #tpu.memory_space<vmem>> -> memref<160xi32, #tpu.memory_space<vmem>>
      %dma_wait3A_28 = arith.constant 0 : i32
      %dma_wait3A_29 = arith.constant 0 : i32
      %dma_wait3A_30 = tpu.memref_slice %arg2[%dma_wait3A_28, %dma_wait3A_29] : memref<10000x128xf32, #tpu.memory_space<hbm>> -> memref<10000x128xf32, #tpu.memory_space<hbm>>
      tpu.wait_indirect_dma semaphore(%arg9 : memref<!tpu.dma_semaphore, #tpu.memory_space<semaphore_mem>>) src(%dma_wait3A_30 : memref<10000x128xf32, #tpu.memory_space<hbm>>) dst(%dma_wait3A_25 : memref<160x128xf32, #tpu.memory_space<vmem>>)
      %parallel_loop3A = arith.constant 0 : i32
      %parallel_loop3A_31 = arith.constant 160 : i32
      %parallel_loop3A_32 = arith.constant 1 : i32
      scf.for %parallel_loop3A_86 = %parallel_loop3A to %parallel_loop3A_31 step %parallel_loop3A_32  : i32 {
        %parallel_loop3A_87 = arith.index_cast %parallel_loop3A_86 : i32 to index
        %parallel_loop3A_88 = tpu.vector_load %arg7[%parallel_loop3A_87] {strides = array<i32>} : memref<344xf32, #tpu.memory_space<vmem>>, vector<16xf32>,
        %parallel_loop3A_89 = vector.shape_cast %parallel_loop3A_88 : vector<16xf32> to vector<16xf32>
        %parallel_loop3A_90 = vector.extract_strided_slice %parallel_loop3A_89 {offsets = [0], sizes = [1], strides = [1]} : vector<16xf32> to vector<1xf32>
        %parallel_loop3A_91 = vector.extract %parallel_loop3A_90[0] : f32 from vector<1xf32>
        %parallel_loop3A_92 = vector.broadcast %parallel_loop3A_91 : f32 to vector<16xf32>
        %parallel_loop3A_93 = arith.index_cast %parallel_loop3A_86 : i32 to index
        %parallel_loop3A_94 = arith.constant 0 : index
        %parallel_loop3A_95 = tpu.vector_load %arg8[%parallel_loop3A_93, %parallel_loop3A_94] {strides = array<i32>} : memref<328x128xf32, #tpu.memory_space<vmem>>, vector<1x16xf32>,
        %parallel_loop3A_96 = vector.shape_cast %parallel_loop3A_95 : vector<1x16xf32> to vector<16xf32>
        %parallel_loop3A_97 = arith.mulf %parallel_loop3A_96, %parallel_loop3A_92 : vector<16xf32>
        %parallel_loop3A_98 = arith.index_cast %parallel_loop3A_86 : i32 to index
        %parallel_loop3A_99 = arith.constant 0 : index
        %parallel_loop3A_100 = tpu.vector_load %arg8[%parallel_loop3A_98, %parallel_loop3A_99] {strides = array<i32>} : memref<328x128xf32, #tpu.memory_space<vmem>>, vector<1x16xf32>,
        %parallel_loop3A_101 = vector.shape_cast %parallel_loop3A_100 : vector<1x16xf32> to vector<16xf32>
        %parallel_loop3A_102 = vector.shape_cast %parallel_loop3A_97 : vector<16xf32> to vector<1x16xf32>
        tpu.vector_store %arg8[%parallel_loop3A_98, %parallel_loop3A_99], %parallel_loop3A_102 {strides = array<i32>} : memref<328x128xf32, #tpu.memory_space<vmem>>, vector<1x16xf32>,
        %parallel_loop3A_103 = arith.index_cast %parallel_loop3A_86 : i32 to index
        %parallel_loop3A_104 = arith.constant 16 : index
        %parallel_loop3A_105 = tpu.vector_load %arg8[%parallel_loop3A_103, %parallel_loop3A_104] {strides = array<i32>} : memref<328x128xf32, #tpu.memory_space<vmem>>, vector<1x16xf32>,
        %parallel_loop3A_106 = vector.shape_cast %parallel_loop3A_105 : vector<1x16xf32> to vector<16xf32>
        %parallel_loop3A_107 = arith.mulf %parallel_loop3A_106, %parallel_loop3A_92 : vector<16xf32>
        %parallel_loop3A_108 = arith.index_cast %parallel_loop3A_86 : i32 to index
        %parallel_loop3A_109 = arith.constant 16 : index
        %parallel_loop3A_110 = tpu.vector_load %arg8[%parallel_loop3A_108, %parallel_loop3A_109] {strides = array<i32>} : memref<328x128xf32, #tpu.memory_space<vmem>>, vector<1x16xf32>,
        %parallel_loop3A_111 = vector.shape_cast %parallel_loop3A_110 : vector<1x16xf32> to vector<16xf32>
        %parallel_loop3A_112 = vector.shape_cast %parallel_loop3A_107 : vector<16xf32> to vector<1x16xf32>
        tpu.vector_store %arg8[%parallel_loop3A_108, %parallel_loop3A_109], %parallel_loop3A_112 {strides = array<i32>} : memref<328x128xf32, #tpu.memory_space<vmem>>, vector<1x16xf32>,
        %parallel_loop3A_113 = arith.index_cast %parallel_loop3A_86 : i32 to index
        %parallel_loop3A_114 = arith.constant 32 : index
        %parallel_loop3A_115 = tpu.vector_load %arg8[%parallel_loop3A_113, %parallel_loop3A_114] {strides = array<i32>} : memref<328x128xf32, #tpu.memory_space<vmem>>, vector<1x16xf32>,
        %parallel_loop3A_116 = vector.shape_cast %parallel_loop3A_115 : vector<1x16xf32> to vector<16xf32>
        %parallel_loop3A_117 = arith.mulf %parallel_loop3A_116, %parallel_loop3A_92 : vector<16xf32>
        %parallel_loop3A_118 = arith.index_cast %parallel_loop3A_86 : i32 to index
        %parallel_loop3A_119 = arith.constant 32 : index
        %parallel_loop3A_120 = tpu.vector_load %arg8[%parallel_loop3A_118, %parallel_loop3A_119] {strides = array<i32>} : memref<328x128xf32, #tpu.memory_space<vmem>>, vector<1x16xf32>,
        %parallel_loop3A_121 = vector.shape_cast %parallel_loop3A_120 : vector<1x16xf32> to vector<16xf32>
        %parallel_loop3A_122 = vector.shape_cast %parallel_loop3A_117 : vector<16xf32> to vector<1x16xf32>
        tpu.vector_store %arg8[%parallel_loop3A_118, %parallel_loop3A_119], %parallel_loop3A_122 {strides = array<i32>} : memref<328x128xf32, #tpu.memory_space<vmem>>, vector<1x16xf32>,
        %parallel_loop3A_123 = arith.index_cast %parallel_loop3A_86 : i32 to index
        %parallel_loop3A_124 = arith.constant 48 : index
        %parallel_loop3A_125 = tpu.vector_load %arg8[%parallel_loop3A_123, %parallel_loop3A_124] {strides = array<i32>} : memref<328x128xf32, #tpu.memory_space<vmem>>, vector<1x16xf32>,
        %parallel_loop3A_126 = vector.shape_cast %parallel_loop3A_125 : vector<1x16xf32> to vector<16xf32>
        %parallel_loop3A_127 = arith.mulf %parallel_loop3A_126, %parallel_loop3A_92 : vector<16xf32>
        %parallel_loop3A_128 = arith.index_cast %parallel_loop3A_86 : i32 to index
        %parallel_loop3A_129 = arith.constant 48 : index
        %parallel_loop3A_130 = tpu.vector_load %arg8[%parallel_loop3A_128, %parallel_loop3A_129] {strides = array<i32>} : memref<328x128xf32, #tpu.memory_space<vmem>>, vector<1x16xf32>,
        %parallel_loop3A_131 = vector.shape_cast %parallel_loop3A_130 : vector<1x16xf32> to vector<16xf32>
        %parallel_loop3A_132 = vector.shape_cast %parallel_loop3A_127 : vector<16xf32> to vector<1x16xf32>
        tpu.vector_store %arg8[%parallel_loop3A_128, %parallel_loop3A_129], %parallel_loop3A_132 {strides = array<i32>} : memref<328x128xf32, #tpu.memory_space<vmem>>, vector<1x16xf32>,
        %parallel_loop3A_133 = arith.index_cast %parallel_loop3A_86 : i32 to index
        %parallel_loop3A_134 = arith.constant 64 : index
        %parallel_loop3A_135 = tpu.vector_load %arg8[%parallel_loop3A_133, %parallel_loop3A_134] {strides = array<i32>} : memref<328x128xf32, #tpu.memory_space<vmem>>, vector<1x16xf32>,
        %parallel_loop3A_136 = vector.shape_cast %parallel_loop3A_135 : vector<1x16xf32> to vector<16xf32>
        %parallel_loop3A_137 = arith.mulf %parallel_loop3A_136, %parallel_loop3A_92 : vector<16xf32>
        %parallel_loop3A_138 = arith.index_cast %parallel_loop3A_86 : i32 to index
        %parallel_loop3A_139 = arith.constant 64 : index
        %parallel_loop3A_140 = tpu.vector_load %arg8[%parallel_loop3A_138, %parallel_loop3A_139] {strides = array<i32>} : memref<328x128xf32, #tpu.memory_space<vmem>>, vector<1x16xf32>,
        %parallel_loop3A_141 = vector.shape_cast %parallel_loop3A_140 : vector<1x16xf32> to vector<16xf32>
        %parallel_loop3A_142 = vector.shape_cast %parallel_loop3A_137 : vector<16xf32> to vector<1x16xf32>
        tpu.vector_store %arg8[%parallel_loop3A_138, %parallel_loop3A_139], %parallel_loop3A_142 {strides = array<i32>} : memref<328x128xf32, #tpu.memory_space<vmem>>, vector<1x16xf32>,
        %parallel_loop3A_143 = arith.index_cast %parallel_loop3A_86 : i32 to index
        %parallel_loop3A_144 = arith.constant 80 : index
        %parallel_loop3A_145 = tpu.vector_load %arg8[%parallel_loop3A_143, %parallel_loop3A_144] {strides = array<i32>} : memref<328x128xf32, #tpu.memory_space<vmem>>, vector<1x16xf32>,
        %parallel_loop3A_146 = vector.shape_cast %parallel_loop3A_145 : vector<1x16xf32> to vector<16xf32>
        %parallel_loop3A_147 = arith.mulf %parallel_loop3A_146, %parallel_loop3A_92 : vector<16xf32>
        %parallel_loop3A_148 = arith.index_cast %parallel_loop3A_86 : i32 to index
        %parallel_loop3A_149 = arith.constant 80 : index
        %parallel_loop3A_150 = tpu.vector_load %arg8[%parallel_loop3A_148, %parallel_loop3A_149] {strides = array<i32>} : memref<328x128xf32, #tpu.memory_space<vmem>>, vector<1x16xf32>,
        %parallel_loop3A_151 = vector.shape_cast %parallel_loop3A_150 : vector<1x16xf32> to vector<16xf32>
        %parallel_loop3A_152 = vector.shape_cast %parallel_loop3A_147 : vector<16xf32> to vector<1x16xf32>
        tpu.vector_store %arg8[%parallel_loop3A_148, %parallel_loop3A_149], %parallel_loop3A_152 {strides = array<i32>} : memref<328x128xf32, #tpu.memory_space<vmem>>, vector<1x16xf32>,
        %parallel_loop3A_153 = arith.index_cast %parallel_loop3A_86 : i32 to index
        %parallel_loop3A_154 = arith.constant 96 : index
        %parallel_loop3A_155 = tpu.vector_load %arg8[%parallel_loop3A_153, %parallel_loop3A_154] {strides = array<i32>} : memref<328x128xf32, #tpu.memory_space<vmem>>, vector<1x16xf32>,
        %parallel_loop3A_156 = vector.shape_cast %parallel_loop3A_155 : vector<1x16xf32> to vector<16xf32>
        %parallel_loop3A_157 = arith.mulf %parallel_loop3A_156, %parallel_loop3A_92 : vector<16xf32>
        %parallel_loop3A_158 = arith.index_cast %parallel_loop3A_86 : i32 to index
        %parallel_loop3A_159 = arith.constant 96 : index
        %parallel_loop3A_160 = tpu.vector_load %arg8[%parallel_loop3A_158, %parallel_loop3A_159] {strides = array<i32>} : memref<328x128xf32, #tpu.memory_space<vmem>>, vector<1x16xf32>,
        %parallel_loop3A_161 = vector.shape_cast %parallel_loop3A_160 : vector<1x16xf32> to vector<16xf32>
        %parallel_loop3A_162 = vector.shape_cast %parallel_loop3A_157 : vector<16xf32> to vector<1x16xf32>
        tpu.vector_store %arg8[%parallel_loop3A_158, %parallel_loop3A_159], %parallel_loop3A_162 {strides = array<i32>} : memref<328x128xf32, #tpu.memory_space<vmem>>, vector<1x16xf32>,
        %parallel_loop3A_163 = arith.index_cast %parallel_loop3A_86 : i32 to index
        %parallel_loop3A_164 = arith.constant 112 : index
        %parallel_loop3A_165 = tpu.vector_load %arg8[%parallel_loop3A_163, %parallel_loop3A_164] {strides = array<i32>} : memref<328x128xf32, #tpu.memory_space<vmem>>, vector<1x16xf32>,
        %parallel_loop3A_166 = vector.shape_cast %parallel_loop3A_165 : vector<1x16xf32> to vector<16xf32>
        %parallel_loop3A_167 = arith.mulf %parallel_loop3A_166, %parallel_loop3A_92 : vector<16xf32>
        %parallel_loop3A_168 = arith.index_cast %parallel_loop3A_86 : i32 to index
        %parallel_loop3A_169 = arith.constant 112 : index
        %parallel_loop3A_170 = tpu.vector_load %arg8[%parallel_loop3A_168, %parallel_loop3A_169] {strides = array<i32>} : memref<328x128xf32, #tpu.memory_space<vmem>>, vector<1x16xf32>,
        %parallel_loop3A_171 = vector.shape_cast %parallel_loop3A_170 : vector<1x16xf32> to vector<16xf32>
        %parallel_loop3A_172 = vector.shape_cast %parallel_loop3A_167 : vector<16xf32> to vector<1x16xf32>
        tpu.vector_store %arg8[%parallel_loop3A_168, %parallel_loop3A_169], %parallel_loop3A_172 {strides = array<i32>} : memref<328x128xf32, #tpu.memory_space<vmem>>, vector<1x16xf32>,
      } {sc.loop_unroll_factor = 4 : i64, sc.parallel_access}
      %dma_start3A_33 = arith.constant 0 : i32
      %dma_start3A_34 = arith.constant 0 : i32
      %dma_start3A_35 = tpu.memref_slice %arg8[%dma_start3A_33, %dma_start3A_34] : memref<328x128xf32, #tpu.memory_space<vmem>> -> memref<160x128xf32, #tpu.memory_space<vmem>>
      %dma_start3A_36 = arith.constant 0 : i32
      %dma_start3A_37 = tpu.memref_slice %arg5[%mul3A_2, %dma_start3A_36] : memref<10000x128xf32, #tpu.memory_space<hbm>> -> memref<160x128xf32, #tpu.memory_space<hbm>>
      %dma_start3A_38 = arith.constant 0 : i32
      %dma_start3A_39 = tpu.memref_slice %arg5[%mul3A_2, %dma_start3A_38] : memref<10000x128xf32, #tpu.memory_space<hbm>> -> memref<160x128xf32, #tpu.memory_space<hbm>>
      %dma_start3A_40 = arith.constant 0 : i32
      %dma_start3A_41 = arith.constant 0 : i32
      %dma_start3A_42 = tpu.memref_slice %arg8[%dma_start3A_40, %dma_start3A_41] : memref<328x128xf32, #tpu.memory_space<vmem>> -> memref<160x128xf32, #tpu.memory_space<vmem>>
      tpu.enqueue_dma source(%dma_start3A_42 : memref<160x128xf32, #tpu.memory_space<vmem>>) target(%dma_start3A_39 : memref<160x128xf32, #tpu.memory_space<hbm>>) target_semaphore(%arg11 : memref<!tpu.dma_semaphore, #tpu.memory_space<semaphore_mem>>)
      %dma_wait3A_43 = arith.constant 160 : i32
      %dma_wait3A_44 = arith.constant 0 : i32
      %dma_wait3A_45 = tpu.memref_slice %arg8[%dma_wait3A_43, %dma_wait3A_44] : memref<328x128xf32, #tpu.memory_space<vmem>> -> memref<152x128xf32, #tpu.memory_space<vmem>>
      %dma_wait3A_46 = arith.constant 160 : i32
      %dma_wait3A_47 = tpu.memref_slice %arg6[%dma_wait3A_46] : memref<328xi32, #tpu.memory_space<vmem>> -> memref<152xi32, #tpu.memory_space<vmem>>
      %dma_wait3A_48 = arith.constant 0 : i32
      %dma_wait3A_49 = arith.constant 0 : i32
      %dma_wait3A_50 = tpu.memref_slice %arg2[%dma_wait3A_48, %dma_wait3A_49] : memref<10000x128xf32, #tpu.memory_space<hbm>> -> memref<10000x128xf32, #tpu.memory_space<hbm>>
      tpu.wait_indirect_dma semaphore(%arg10 : memref<!tpu.dma_semaphore, #tpu.memory_space<semaphore_mem>>) src(%dma_wait3A_50 : memref<10000x128xf32, #tpu.memory_space<hbm>>) dst(%dma_wait3A_45 : memref<152x128xf32, #tpu.memory_space<vmem>>)
      %parallel_loop3A_51 = arith.constant 160 : i32
      %parallel_loop3A_52 = arith.constant 312 : i32
      %parallel_loop3A_53 = arith.constant 1 : i32
      scf.for %parallel_loop3A_86 = %parallel_loop3A_51 to %parallel_loop3A_52 step %parallel_loop3A_53  : i32 {
        %parallel_loop3A_87 = arith.index_cast %parallel_loop3A_86 : i32 to index
        %parallel_loop3A_88 = tpu.vector_load %arg7[%parallel_loop3A_87] {strides = array<i32>} : memref<344xf32, #tpu.memory_space<vmem>>, vector<16xf32>,
        %parallel_loop3A_89 = vector.shape_cast %parallel_loop3A_88 : vector<16xf32> to vector<16xf32>
        %parallel_loop3A_90 = vector.extract_strided_slice %parallel_loop3A_89 {offsets = [0], sizes = [1], strides = [1]} : vector<16xf32> to vector<1xf32>
        %parallel_loop3A_91 = vector.extract %parallel_loop3A_90[0] : f32 from vector<1xf32>
        %parallel_loop3A_92 = vector.broadcast %parallel_loop3A_91 : f32 to vector<16xf32>
        %parallel_loop3A_93 = arith.index_cast %parallel_loop3A_86 : i32 to index
        %parallel_loop3A_94 = arith.constant 0 : index
        %parallel_loop3A_95 = tpu.vector_load %arg8[%parallel_loop3A_93, %parallel_loop3A_94] {strides = array<i32>} : memref<328x128xf32, #tpu.memory_space<vmem>>, vector<1x16xf32>,
        %parallel_loop3A_96 = vector.shape_cast %parallel_loop3A_95 : vector<1x16xf32> to vector<16xf32>
        %parallel_loop3A_97 = arith.mulf %parallel_loop3A_96, %parallel_loop3A_92 : vector<16xf32>
        %parallel_loop3A_98 = arith.index_cast %parallel_loop3A_86 : i32 to index
        %parallel_loop3A_99 = arith.constant 0 : index
        %parallel_loop3A_100 = tpu.vector_load %arg8[%parallel_loop3A_98, %parallel_loop3A_99] {strides = array<i32>} : memref<328x128xf32, #tpu.memory_space<vmem>>, vector<1x16xf32>,
        %parallel_loop3A_101 = vector.shape_cast %parallel_loop3A_100 : vector<1x16xf32> to vector<16xf32>
        %parallel_loop3A_102 = vector.shape_cast %parallel_loop3A_97 : vector<16xf32> to vector<1x16xf32>
        tpu.vector_store %arg8[%parallel_loop3A_98, %parallel_loop3A_99], %parallel_loop3A_102 {strides = array<i32>} : memref<328x128xf32, #tpu.memory_space<vmem>>, vector<1x16xf32>,
        %parallel_loop3A_103 = arith.index_cast %parallel_loop3A_86 : i32 to index
        %parallel_loop3A_104 = arith.constant 16 : index
        %parallel_loop3A_105 = tpu.vector_load %arg8[%parallel_loop3A_103, %parallel_loop3A_104] {strides = array<i32>} : memref<328x128xf32, #tpu.memory_space<vmem>>, vector<1x16xf32>,
        %parallel_loop3A_106 = vector.shape_cast %parallel_loop3A_105 : vector<1x16xf32> to vector<16xf32>
        %parallel_loop3A_107 = arith.mulf %parallel_loop3A_106, %parallel_loop3A_92 : vector<16xf32>
        %parallel_loop3A_108 = arith.index_cast %parallel_loop3A_86 : i32 to index
        %parallel_loop3A_109 = arith.constant 16 : index
        %parallel_loop3A_110 = tpu.vector_load %arg8[%parallel_loop3A_108, %parallel_loop3A_109] {strides = array<i32>} : memref<328x128xf32, #tpu.memory_space<vmem>>, vector<1x16xf32>,
        %parallel_loop3A_111 = vector.shape_cast %parallel_loop3A_110 : vector<1x16xf32> to vector<16xf32>
        %parallel_loop3A_112 = vector.shape_cast %parallel_loop3A_107 : vector<16xf32> to vector<1x16xf32>
        tpu.vector_store %arg8[%parallel_loop3A_108, %parallel_loop3A_109], %parallel_loop3A_112 {strides = array<i32>} : memref<328x128xf32, #tpu.memory_space<vmem>>, vector<1x16xf32>,
        %parallel_loop3A_113 = arith.index_cast %parallel_loop3A_86 : i32 to index
        %parallel_loop3A_114 = arith.constant 32 : index
        %parallel_loop3A_115 = tpu.vector_load %arg8[%parallel_loop3A_113, %parallel_loop3A_114] {strides = array<i32>} : memref<328x128xf32, #tpu.memory_space<vmem>>, vector<1x16xf32>,
        %parallel_loop3A_116 = vector.shape_cast %parallel_loop3A_115 : vector<1x16xf32> to vector<16xf32>
        %parallel_loop3A_117 = arith.mulf %parallel_loop3A_116, %parallel_loop3A_92 : vector<16xf32>
        %parallel_loop3A_118 = arith.index_cast %parallel_loop3A_86 : i32 to index
        %parallel_loop3A_119 = arith.constant 32 : index
        %parallel_loop3A_120 = tpu.vector_load %arg8[%parallel_loop3A_118, %parallel_loop3A_119] {strides = array<i32>} : memref<328x128xf32, #tpu.memory_space<vmem>>, vector<1x16xf32>,
        %parallel_loop3A_121 = vector.shape_cast %parallel_loop3A_120 : vector<1x16xf32> to vector<16xf32>
        %parallel_loop3A_122 = vector.shape_cast %parallel_loop3A_117 : vector<16xf32> to vector<1x16xf32>
        tpu.vector_store %arg8[%parallel_loop3A_118, %parallel_loop3A_119], %parallel_loop3A_122 {strides = array<i32>} : memref<328x128xf32, #tpu.memory_space<vmem>>, vector<1x16xf32>,
        %parallel_loop3A_123 = arith.index_cast %parallel_loop3A_86 : i32 to index
        %parallel_loop3A_124 = arith.constant 48 : index
        %parallel_loop3A_125 = tpu.vector_load %arg8[%parallel_loop3A_123, %parallel_loop3A_124] {strides = array<i32>} : memref<328x128xf32, #tpu.memory_space<vmem>>, vector<1x16xf32>,
        %parallel_loop3A_126 = vector.shape_cast %parallel_loop3A_125 : vector<1x16xf32> to vector<16xf32>
        %parallel_loop3A_127 = arith.mulf %parallel_loop3A_126, %parallel_loop3A_92 : vector<16xf32>
        %parallel_loop3A_128 = arith.index_cast %parallel_loop3A_86 : i32 to index
        %parallel_loop3A_129 = arith.constant 48 : index
        %parallel_loop3A_130 = tpu.vector_load %arg8[%parallel_loop3A_128, %parallel_loop3A_129] {strides = array<i32>} : memref<328x128xf32, #tpu.memory_space<vmem>>, vector<1x16xf32>,
        %parallel_loop3A_131 = vector.shape_cast %parallel_loop3A_130 : vector<1x16xf32> to vector<16xf32>
        %parallel_loop3A_132 = vector.shape_cast %parallel_loop3A_127 : vector<16xf32> to vector<1x16xf32>
        tpu.vector_store %arg8[%parallel_loop3A_128, %parallel_loop3A_129], %parallel_loop3A_132 {strides = array<i32>} : memref<328x128xf32, #tpu.memory_space<vmem>>, vector<1x16xf32>,
        %parallel_loop3A_133 = arith.index_cast %parallel_loop3A_86 : i32 to index
        %parallel_loop3A_134 = arith.constant 64 : index
        %parallel_loop3A_135 = tpu.vector_load %arg8[%parallel_loop3A_133, %parallel_loop3A_134] {strides = array<i32>} : memref<328x128xf32, #tpu.memory_space<vmem>>, vector<1x16xf32>,
        %parallel_loop3A_136 = vector.shape_cast %parallel_loop3A_135 : vector<1x16xf32> to vector<16xf32>
        %parallel_loop3A_137 = arith.mulf %parallel_loop3A_136, %parallel_loop3A_92 : vector<16xf32>
        %parallel_loop3A_138 = arith.index_cast %parallel_loop3A_86 : i32 to index
        %parallel_loop3A_139 = arith.constant 64 : index
        %parallel_loop3A_140 = tpu.vector_load %arg8[%parallel_loop3A_138, %parallel_loop3A_139] {strides = array<i32>} : memref<328x128xf32, #tpu.memory_space<vmem>>, vector<1x16xf32>,
        %parallel_loop3A_141 = vector.shape_cast %parallel_loop3A_140 : vector<1x16xf32> to vector<16xf32>
        %parallel_loop3A_142 = vector.shape_cast %parallel_loop3A_137 : vector<16xf32> to vector<1x16xf32>
        tpu.vector_store %arg8[%parallel_loop3A_138, %parallel_loop3A_139], %parallel_loop3A_142 {strides = array<i32>} : memref<328x128xf32, #tpu.memory_space<vmem>>, vector<1x16xf32>,
        %parallel_loop3A_143 = arith.index_cast %parallel_loop3A_86 : i32 to index
        %parallel_loop3A_144 = arith.constant 80 : index
        %parallel_loop3A_145 = tpu.vector_load %arg8[%parallel_loop3A_143, %parallel_loop3A_144] {strides = array<i32>} : memref<328x128xf32, #tpu.memory_space<vmem>>, vector<1x16xf32>,
        %parallel_loop3A_146 = vector.shape_cast %parallel_loop3A_145 : vector<1x16xf32> to vector<16xf32>
        %parallel_loop3A_147 = arith.mulf %parallel_loop3A_146, %parallel_loop3A_92 : vector<16xf32>
        %parallel_loop3A_148 = arith.index_cast %parallel_loop3A_86 : i32 to index
        %parallel_loop3A_149 = arith.constant 80 : index
        %parallel_loop3A_150 = tpu.vector_load %arg8[%parallel_loop3A_148, %parallel_loop3A_149] {strides = array<i32>} : memref<328x128xf32, #tpu.memory_space<vmem>>, vector<1x16xf32>,
        %parallel_loop3A_151 = vector.shape_cast %parallel_loop3A_150 : vector<1x16xf32> to vector<16xf32>
        %parallel_loop3A_152 = vector.shape_cast %parallel_loop3A_147 : vector<16xf32> to vector<1x16xf32>
        tpu.vector_store %arg8[%parallel_loop3A_148, %parallel_loop3A_149], %parallel_loop3A_152 {strides = array<i32>} : memref<328x128xf32, #tpu.memory_space<vmem>>, vector<1x16xf32>,
        %parallel_loop3A_153 = arith.index_cast %parallel_loop3A_86 : i32 to index
        %parallel_loop3A_154 = arith.constant 96 : index
        %parallel_loop3A_155 = tpu.vector_load %arg8[%parallel_loop3A_153, %parallel_loop3A_154] {strides = array<i32>} : memref<328x128xf32, #tpu.memory_space<vmem>>, vector<1x16xf32>,
        %parallel_loop3A_156 = vector.shape_cast %parallel_loop3A_155 : vector<1x16xf32> to vector<16xf32>
        %parallel_loop3A_157 = arith.mulf %parallel_loop3A_156, %parallel_loop3A_92 : vector<16xf32>
        %parallel_loop3A_158 = arith.index_cast %parallel_loop3A_86 : i32 to index
        %parallel_loop3A_159 = arith.constant 96 : index
        %parallel_loop3A_160 = tpu.vector_load %arg8[%parallel_loop3A_158, %parallel_loop3A_159] {strides = array<i32>} : memref<328x128xf32, #tpu.memory_space<vmem>>, vector<1x16xf32>,
        %parallel_loop3A_161 = vector.shape_cast %parallel_loop3A_160 : vector<1x16xf32> to vector<16xf32>
        %parallel_loop3A_162 = vector.shape_cast %parallel_loop3A_157 : vector<16xf32> to vector<1x16xf32>
        tpu.vector_store %arg8[%parallel_loop3A_158, %parallel_loop3A_159], %parallel_loop3A_162 {strides = array<i32>} : memref<328x128xf32, #tpu.memory_space<vmem>>, vector<1x16xf32>,
        %parallel_loop3A_163 = arith.index_cast %parallel_loop3A_86 : i32 to index
        %parallel_loop3A_164 = arith.constant 112 : index
        %parallel_loop3A_165 = tpu.vector_load %arg8[%parallel_loop3A_163, %parallel_loop3A_164] {strides = array<i32>} : memref<328x128xf32, #tpu.memory_space<vmem>>, vector<1x16xf32>,
        %parallel_loop3A_166 = vector.shape_cast %parallel_loop3A_165 : vector<1x16xf32> to vector<16xf32>
        %parallel_loop3A_167 = arith.mulf %parallel_loop3A_166, %parallel_loop3A_92 : vector<16xf32>
        %parallel_loop3A_168 = arith.index_cast %parallel_loop3A_86 : i32 to index
        %parallel_loop3A_169 = arith.constant 112 : index
        %parallel_loop3A_170 = tpu.vector_load %arg8[%parallel_loop3A_168, %parallel_loop3A_169] {strides = array<i32>} : memref<328x128xf32, #tpu.memory_space<vmem>>, vector<1x16xf32>,
        %parallel_loop3A_171 = vector.shape_cast %parallel_loop3A_170 : vector<1x16xf32> to vector<16xf32>
        %parallel_loop3A_172 = vector.shape_cast %parallel_loop3A_167 : vector<16xf32> to vector<1x16xf32>
        tpu.vector_store %arg8[%parallel_loop3A_168, %parallel_loop3A_169], %parallel_loop3A_172 {strides = array<i32>} : memref<328x128xf32, #tpu.memory_space<vmem>>, vector<1x16xf32>,
      } {sc.loop_unroll_factor = 4 : i64, sc.parallel_access}
      %add3A_54 = arith.constant 160 : i32
      %add3A_55 = arith.addi %mul3A_2, %add3A_54 : i32
      %dma_start3A_56 = arith.constant 160 : i32
      %dma_start3A_57 = arith.constant 0 : i32
      %dma_start3A_58 = tpu.memref_slice %arg8[%dma_start3A_56, %dma_start3A_57] : memref<328x128xf32, #tpu.memory_space<vmem>> -> memref<152x128xf32, #tpu.memory_space<vmem>>
      %dma_start3A_59 = arith.constant 0 : i32
      %dma_start3A_60 = tpu.memref_slice %arg5[%add3A_55, %dma_start3A_59] : memref<10000x128xf32, #tpu.memory_space<hbm>> -> memref<152x128xf32, #tpu.memory_space<hbm>>
      %dma_start3A_61 = arith.constant 0 : i32
      %dma_start3A_62 = tpu.memref_slice %arg5[%add3A_55, %dma_start3A_61] : memref<10000x128xf32, #tpu.memory_space<hbm>> -> memref<152x128xf32, #tpu.memory_space<hbm>>
      %dma_start3A_63 = arith.constant 160 : i32
      %dma_start3A_64 = arith.constant 0 : i32
      %dma_start3A_65 = tpu.memref_slice %arg8[%dma_start3A_63, %dma_start3A_64] : memref<328x128xf32, #tpu.memory_space<vmem>> -> memref<152x128xf32, #tpu.memory_space<vmem>>
      tpu.enqueue_dma source(%dma_start3A_65 : memref<152x128xf32, #tpu.memory_space<vmem>>) target(%dma_start3A_62 : memref<152x128xf32, #tpu.memory_space<hbm>>) target_semaphore(%arg12 : memref<!tpu.dma_semaphore, #tpu.memory_space<semaphore_mem>>)
      %dma_wait3A_66 = arith.constant 0 : i32
      %dma_wait3A_67 = arith.constant 0 : i32
      %dma_wait3A_68 = tpu.memref_slice %arg8[%dma_wait3A_66, %dma_wait3A_67] : memref<328x128xf32, #tpu.memory_space<vmem>> -> memref<160x128xf32, #tpu.memory_space<vmem>>
      %dma_wait3A_69 = arith.constant 0 : i32
      %dma_wait3A_70 = tpu.memref_slice %arg5[%mul3A_2, %dma_wait3A_69] : memref<10000x128xf32, #tpu.memory_space<hbm>> -> memref<160x128xf32, #tpu.memory_space<hbm>>
      %dma_wait3A_71 = arith.constant 0 : i32
      %dma_wait3A_72 = tpu.memref_slice %arg5[%mul3A_2, %dma_wait3A_71] : memref<10000x128xf32, #tpu.memory_space<hbm>> -> memref<160x128xf32, #tpu.memory_space<hbm>>
      %dma_wait3A_73 = arith.constant 0 : i32
      %dma_wait3A_74 = arith.constant 0 : i32
      %dma_wait3A_75 = tpu.memref_slice %arg8[%dma_wait3A_73, %dma_wait3A_74] : memref<328x128xf32, #tpu.memory_space<vmem>> -> memref<160x128xf32, #tpu.memory_space<vmem>>
      tpu.wait_dma2 semaphore(%arg11 : memref<!tpu.dma_semaphore, #tpu.memory_space<semaphore_mem>>) src(%dma_wait3A_75 : memref<160x128xf32, #tpu.memory_space<vmem>>) dst(%dma_wait3A_72 : memref<160x128xf32, #tpu.memory_space<hbm>>)
      %dma_wait3A_76 = arith.constant 160 : i32
      %dma_wait3A_77 = arith.constant 0 : i32
      %dma_wait3A_78 = tpu.memref_slice %arg8[%dma_wait3A_76, %dma_wait3A_77] : memref<328x128xf32, #tpu.memory_space<vmem>> -> memref<152x128xf32, #tpu.memory_space<vmem>>
      %dma_wait3A_79 = arith.constant 0 : i32
      %dma_wait3A_80 = tpu.memref_slice %arg5[%add3A_55, %dma_wait3A_79] : memref<10000x128xf32, #tpu.memory_space<hbm>> -> memref<152x128xf32, #tpu.memory_space<hbm>>
      %dma_wait3A_81 = arith.constant 0 : i32
      %dma_wait3A_82 = tpu.memref_slice %arg5[%add3A_55, %dma_wait3A_81] : memref<10000x128xf32, #tpu.memory_space<hbm>> -> memref<152x128xf32, #tpu.memory_space<hbm>>
      %dma_wait3A_83 = arith.constant 160 : i32
      %dma_wait3A_84 = arith.constant 0 : i32
      %dma_wait3A_85 = tpu.memref_slice %arg8[%dma_wait3A_83, %dma_wait3A_84] : memref<328x128xf32, #tpu.memory_space<vmem>> -> memref<152x128xf32, #tpu.memory_space<vmem>>
      tpu.wait_dma2 semaphore(%arg12 : memref<!tpu.dma_semaphore, #tpu.memory_space<semaphore_mem>>) src(%dma_wait3A_85 : memref<152x128xf32, #tpu.memory_space<vmem>>) dst(%dma_wait3A_82 : memref<152x128xf32, #tpu.memory_space<hbm>>)
    } else {
    }
    return
  }
}

module attributes {stable_mosaic.version = 14 : i64} {
  func.func @_tc_body(%arg0: i32, %arg1: memref<400x10000xf32, #tpu.memory_space<vmem>>, %arg2: memref<400x128xf32, #tpu.memory_space<vmem>>, %arg3: memref<128x128xf32, #tpu.memory_space<vmem>>, %arg4: memref<1x128xf32, #tpu.memory_space<vmem>>, %arg5: memref<400x128xf32, #tpu.memory_space<vmem>>, %arg6: memref<1x1x400xf32, #tpu.memory_space<vmem>>, %arg7: memref<1x1x400xi32, #tpu.memory_space<vmem>>) attributes {dimension_semantics = [#tpu.dimension_semantics<arbitrary>], iteration_bounds = array<i64: 25>, scalar_prefetch = 0 : i64, scratch_operands = 0 : i64, tpu.core_type = #tpu.core_type<tc>, window_params = [{transform_indices = @transform_0, window_bounds = array<i64: 400, 10000>}, {transform_indices = @transform_1, window_bounds = array<i64: 400, 128>}, {pipeline_mode = #tpu.pipeline_mode<synchronous>, transform_indices = @transform_2, window_bounds = array<i64: 128, 128>}, {pipeline_mode = #tpu.pipeline_mode<synchronous>, transform_indices = @transform_3, window_bounds = array<i64: 1, 128>}, {transform_indices = @transform_4, window_bounds = array<i64: 400, 128>}, {transform_indices = @transform_5, window_bounds = array<i64: 1, 1, 400>}, {transform_indices = @transform_6, window_bounds = array<i64: 1, 1, 400>}]} {
    %get3A = arith.constant 0 : index
    %get3A_0 = arith.constant 0 : index
    %get3A_1 = vector.load %arg1[%get3A, %get3A_0] : memref<400x10000xf32, #tpu.memory_space<vmem>>, vector<400x10000xf32>
    %reduce_max3A = arith.constant dense<0xFF800000> : vector<400xf32>
    %reduce_max3A_2 = vector.multi_reduction <maximumf>, %get3A_1, %reduce_max3A [1] : vector<400x10000xf32> to vector<400xf32>
    %iota3A = tpu.iota {dimensions = array<i32: 1>} : vector<1x10000xi32>
    %broadcast_in_dim3A = vector.shape_cast %reduce_max3A_2 : vector<400xf32> to vector<400x1xf32>
    %eq3A = vector.broadcast %broadcast_in_dim3A : vector<400x1xf32> to vector<400x10000xf32>
    %eq3A_3 = arith.cmpf oeq, %get3A_1, %eq3A : vector<400x10000xf32>
    %jit3A = arith.constant 10000 : i32
    %broadcast_in_dim3A_4 = vector.shape_cast %iota3A : vector<1x10000xi32> to vector<1x10000xi32>
    %broadcast_in_dim3A_5 = vector.broadcast %broadcast_in_dim3A_4 : vector<1x10000xi32> to vector<400x10000xi32>
    %broadcast_in_dim3A_6 = vector.broadcast %jit3A : i32 to vector<400x10000xi32>
    %select_n3A = arith.select %eq3A_3, %broadcast_in_dim3A_5, %broadcast_in_dim3A_6 : vector<400x10000xi1>, vector<400x10000xi32>
    %reduce_min3A = arith.constant dense<2147483647> : vector<400xi32>
    %reduce_min3A_7 = vector.multi_reduction <minsi>, %select_n3A, %reduce_min3A [1] : vector<400x10000xi32> to vector<400xi32>
    %swap3A = arith.constant 0 : index
    %swap3A_8 = arith.constant 0 : index
    %swap3A_9 = arith.constant 0 : index
    %swap3A_10 = vector.load %arg6[%swap3A, %swap3A_8, %swap3A_9] : memref<1x1x400xf32, #tpu.memory_space<vmem>>, vector<1x1x400xf32>
    %swap3A_11 = vector.shape_cast %swap3A_10 : vector<1x1x400xf32> to vector<400xf32>
    %swap3A_12 = vector.shape_cast %reduce_max3A_2 : vector<400xf32> to vector<1x1x400xf32>
    tpu.vector_store %arg6[%swap3A, %swap3A_8, %swap3A_9], %swap3A_12 {strides = array<i32>} : memref<1x1x400xf32, #tpu.memory_space<vmem>>, vector<1x1x400xf32>,
    %swap3A_13 = arith.constant 0 : index
    %swap3A_14 = arith.constant 0 : index
    %swap3A_15 = arith.constant 0 : index
    %swap3A_16 = vector.load %arg7[%swap3A_13, %swap3A_14, %swap3A_15] : memref<1x1x400xi32, #tpu.memory_space<vmem>>, vector<1x1x400xi32>
    %swap3A_17 = vector.shape_cast %swap3A_16 : vector<1x1x400xi32> to vector<400xi32>
    %swap3A_18 = vector.shape_cast %reduce_min3A_7 : vector<400xi32> to vector<1x1x400xi32>
    tpu.vector_store %arg7[%swap3A_13, %swap3A_14, %swap3A_15], %swap3A_18 {strides = array<i32>} : memref<1x1x400xi32, #tpu.memory_space<vmem>>, vector<1x1x400xi32>,
    %get3A_19 = arith.constant 0 : index
    %get3A_20 = arith.constant 0 : index
    %get3A_21 = vector.load %arg2[%get3A_19, %get3A_20] : memref<400x128xf32, #tpu.memory_space<vmem>>, vector<400x128xf32>
    %get3A_22 = arith.constant 0 : index
    %get3A_23 = arith.constant 0 : index
    %get3A_24 = vector.load %arg3[%get3A_22, %get3A_23] : memref<128x128xf32, #tpu.memory_space<vmem>>, vector<128x128xf32>
    %dot_general3A = arith.constant dense<0.000000e+00> : vector<400x128xf32>
    %dot_general3A_25 = tpu.matmul %get3A_21, %get3A_24, %dot_general3A {dimension_numbers = #tpu.dot_dimension_numbers<[1], [0], [0], [1], [0, 0, 1, 1], [], []>, transpose_lhs_hint = false} : vector<400x128xf32>, vector<128x128xf32>, vector<400x128xf32> -> vector<400x128xf32>
    %get3A_26 = arith.constant 0 : index
    %get3A_27 = arith.constant 0 : index
    %get3A_28 = vector.load %arg4[%get3A_26, %get3A_27] : memref<1x128xf32, #tpu.memory_space<vmem>>, vector<1x128xf32>
    %add3A = vector.broadcast %get3A_28 : vector<1x128xf32> to vector<400x128xf32>
    %add3A_29 = arith.addf %dot_general3A_25, %add3A : vector<400x128xf32>
    %swap3A_30 = arith.constant 0 : index
    %swap3A_31 = arith.constant 0 : index
    %swap3A_32 = vector.load %arg5[%swap3A_30, %swap3A_31] : memref<400x128xf32, #tpu.memory_space<vmem>>, vector<400x128xf32>
    tpu.vector_store %arg5[%swap3A_30, %swap3A_31], %add3A_29 {strides = array<i32>} : memref<400x128xf32, #tpu.memory_space<vmem>>, vector<400x128xf32>,
    return
  }
  func.func @transform_0(%arg0: i32) -> (i32, i32) {
    %c0_i32 = arith.constant 0 : i32
    %c0_i32_0 = arith.constant 0 : i32
    return %arg0, %c0_i32 : i32, i32
  }
  func.func @transform_1(%arg0: i32) -> (i32, i32) {
    %c0_i32 = arith.constant 0 : i32
    %c0_i32_0 = arith.constant 0 : i32
    return %arg0, %c0_i32 : i32, i32
  }
  func.func @transform_2(%arg0: i32) -> (i32, i32) {
    %c0_i32 = arith.constant 0 : i32
    %c0_i32_0 = arith.constant 0 : i32
    %c0_i32_1 = arith.constant 0 : i32
    return %c0_i32, %c0_i32_0 : i32, i32
  }
  func.func @transform_3(%arg0: i32) -> (i32, i32) {
    %c0_i32 = arith.constant 0 : i32
    %c0_i32_0 = arith.constant 0 : i32
    %c0_i32_1 = arith.constant 0 : i32
    return %c0_i32, %c0_i32_0 : i32, i32
  }
  func.func @transform_4(%arg0: i32) -> (i32, i32) {
    %c0_i32 = arith.constant 0 : i32
    %c0_i32_0 = arith.constant 0 : i32
    return %arg0, %c0_i32 : i32, i32
  }
  func.func @transform_5(%arg0: i32) -> (i32, i32, i32) {
    %c0_i32 = arith.constant 0 : i32
    %c0_i32_0 = arith.constant 0 : i32
    %c0_i32_1 = arith.constant 0 : i32
    return %arg0, %c0_i32, %c0_i32_0 : i32, i32, i32
  }
  func.func @transform_6(%arg0: i32) -> (i32, i32, i32) {
    %c0_i32 = arith.constant 0 : i32
    %c0_i32_0 = arith.constant 0 : i32
    %c0_i32_1 = arith.constant 0 : i32
    return %arg0, %c0_i32, %c0_i32_0 : i32, i32, i32
  }
}

</mosaic_0001>

<sc_bundles>
// kernel: kernel.4.cloned.1.call-start
scs
__scs_entry_jumppad:
0x0: {  	(pc) =	sbr.rel $0x88, $3  }
0x1: {  	(tag) =	ssettag $0x0;
	lr =	simm.s32 $0x1  }
0x2: {  	[smem:$0x3F9D] =	sst lr;
	_ =	strace $0xD0000000  }
0x3: {  	_ = 	snop  }
0x4: {  	_ = 	snop  }
0x5: {  	_ = 	snop  }
0x6: {  	_ = 	snop  }
0x7: {  	_ = 	snop  }
__scs_overlays_trampoline_lowered:
0x8: {  	[smem:$0x3FAC] =	sst s0  }
0x9: {  	[smem:$0x3FAD] =	sst s1  }
0xa: {  	[smem:$0x3FAE] =	sst s2  }
0xb: {  	[smem:$0x3FAF] =	sst s3  }
0xc: {  	[smem:$0x3FB0] =	sst s4  }
0xd: {  	[smem:$0x3FB1] =	sst s5  }
0xe: {  	[smem:$0x3FB2] =	sst s6  }
0xf: {  	[smem:$0x3FB3] =	sst s7  }
0x10: {  	[smem:$0x3FB4] =	sst s8  }
0x11: {  	[smem:$0x3FB5] =	sst s9;
	s0 =	simm.s32 @!p0 $0x0  }
0x12: {  	s1 =	sld [smem:$0x3F9B];
	s0 =	simm.s32 @p0 $0x1  }
0x13: {  	[smem:$0x3FB6] =	sst s0;
	s0 =	simm.s32 @!p1 $0x0  }
0x14: {  	s2 =	sld [smem:$0x3F9A];
	s0 =	simm.s32 @p1 $0x1  }
0x15: {  	[smem:$0x3FB7] =	sst s0;
	s0 =	simm.s32 @!p2 $0x0  }
0x16: {  	s3 =	sld [smem:$0x3FDB];
	s0 =	simm.s32 @p2 $0x1  }
0x17: {  	s4 =	simm.s32 $0x1BF5;
	[smem:$0x3FB9] =	sst s0  }
0x18: {  	s0 =	sld [smem:$0x3F9C];
	_ =	swait.ge [sflag:s4], $0x0  }
0x19: {  	s7 =	sld [smem:$0x3F9D]  }
0x1a: {  	s8 =	sadd.s32 $0xFFFFE003, lr  }
0x1b: {  	s9 =	sadd.s32 $0xFFFFFEF7, lr;
	s5 =	simm.s32 $0xFFFFFFFF;
	p2 =	slt.u32 s8, $0xFFFFF086  }
0x1c: {  	p1 =	slt.u32 s9, $0xF7A;
	s5 =	simm.s32 @!p2 $0x0  }
0x1d: {  	s5 =	simm.s32 @p1 $0x1;
	p0 =	seq.s32 s7, s2  }
0x1e: {  	s7 =	smul.u32 @!p0 $0xF7A, s2;
	p2 =	seq.s32 @!p0 s5, $0x0  }
0x1f: {  	s9 =	smul.u32 $0xF7A, s1;
	s8 =	simm.s32 @!p0 $0x1BF5;
	p2 =	por !p2, p0  }
0x20: {  	[sflag:s8] =	ssyncset.s32 @!p0 $0xFFFFF086;
	s6 =	sadd.s32 @!p0 s3, s7;
	s7 =	simm.s32 @!p0 $0x108  }
0x21: {  	s3 =	sadd.s32 s3, s9;
	s6 =	sadd.s32 @!p0 $0x88, s6;
	s7 =	simm.s32 @p2 $0x1082  }
0x22: {  	[simem:s7], [sflag:s8] =	dma.local @!p0 [hbm:s6], $0xF7A  }
0x23: {  	s9 =	sor.u32 $0xD0000000, s2;
	s6 =	simm.s32 $0x108;
	_ =	swait.ge @!p0 [sflag:s8], $0x0  }
0x24: {  	s3 =	sadd.s32 $0x88, s3;
	s6 =	simm.s32 @!p1 $0x1082;
	[sflag:s4] =	ssyncset.s32 $0xFFFFF086  }
0x25: {  	[simem:s6], [sflag:s4] =	dma.local [hbm:s3], $0xF7A  }
0x26: {  	[smem:$0x3F9D] =	sst s1;
	(tag) =	ssettag s2;
	_ =	strace s9  }
0x27: {  	s1 =	sld [smem:$0x3FAD]  }
0x28: {  	s2 =	sld [smem:$0x3FAE]  }
0x29: {  	s4 =	sld [smem:$0x3FB0]  }
0x2a: {  	p0 =	seq.s32 s5, $0x0;
	s5 =	sld [smem:$0x3FB1]  }
0x2b: {  	s6 =	sld [smem:$0x3FB2]  }
0x2c: {  	s7 =	sld [smem:$0x3FB3]  }
0x2d: {  	s3 =	simm.s32 $0x108;
	s8 =	sld [smem:$0x3FB4]  }
0x2e: {  	s3 =	simm.s32 @!p0 $0x1082;
	s9 =	sld [smem:$0x3FB5]  }
0x2f: {  	lr =	sadd.s32 s0, s3;
	s0 =	sld [smem:$0x3FAC]  }
0x30: {  	s3 =	sld [smem:$0x3FAF]  }
0x31: {  	[smem:$0x3FB8] =	sst s10  }
0x32: {  	s10 =	sld [smem:$0x3FB6];
	_ =	sdelay $0x3  }
0x33: {  	p0 =	seq.s32 s10, $0x1;
	s10 =	sld [smem:$0x3FB8];
	_ =	sdelay $0x3  }
0x34: {  	[smem:$0x3FB8] =	sst s10  }
0x35: {  	s10 =	sld [smem:$0x3FB7];
	_ =	sdelay $0x3  }
0x36: {  	p1 =	seq.s32 s10, $0x1;
	s10 =	sld [smem:$0x3FB8];
	_ =	sdelay $0x3  }
0x37: {  	[smem:$0x3FB8] =	sst s10  }
0x38: {  	s10 =	sld [smem:$0x3FB9]  }
0x39: {  	_ = 	snop;
	(pc) =	sbr.ind lr, $3  }
0x3a: {  	_ = 	snop  }
0x3b: {  	_ = 	snop  }
0x3c: {  	p2 =	seq.s32 s10, $0x1;
	s10 =	sld [smem:$0x3FB8]  }
0x3d: {  	_ =	shalt  }
0x3e: {  	_ =	shalt  }
0x3f: {  	_ =	shalt  }
0x40: {  	_ =	shalt  }
0x41: {  	_ =	shalt  }
0x42: {  	_ =	shalt  }
0x43: {  	_ =	shalt  }
0x44: {  	_ =	shalt  }
0x45: {  	_ =	shalt  }
0x46: {  	_ =	shalt  }
0x47: {  	_ =	shalt  }
0x48: {  	_ =	shalt  }
0x49: {  	_ =	shalt  }
0x4a: {  	_ =	shalt  }
0x4b: {  	_ =	shalt  }
0x4c: {  	_ =	shalt  }
0x4d: {  	_ =	shalt  }
0x4e: {  	_ =	shalt  }
0x4f: {  	_ =	shalt  }
0x50: {  	_ =	shalt  }
0x51: {  	_ =	shalt  }
0x52: {  	_ =	shalt  }
0x53: {  	_ =	shalt  }
0x54: {  	_ =	shalt  }
0x55: {  	_ =	shalt  }
0x56: {  	_ =	shalt  }
0x57: {  	_ =	shalt  }
0x58: {  	_ =	shalt  }
0x59: {  	_ =	shalt  }
0x5a: {  	_ =	shalt  }
0x5b: {  	_ =	shalt  }
0x5c: {  	_ =	shalt  }
0x5d: {  	_ =	shalt  }
0x5e: {  	_ =	shalt  }
0x5f: {  	_ =	shalt  }
0x60: {  	_ =	shalt  }
0x61: {  	_ =	shalt  }
0x62: {  	_ =	shalt  }
0x63: {  	_ =	shalt  }
0x64: {  	_ =	shalt  }
0x65: {  	_ =	shalt  }
0x66: {  	_ =	shalt  }
0x67: {  	_ =	shalt  }
0x68: {  	_ =	shalt  }
0x69: {  	_ =	shalt  }
0x6a: {  	_ =	shalt  }
0x6b: {  	_ =	shalt  }
0x6c: {  	_ =	shalt  }
0x6d: {  	_ =	shalt  }
0x6e: {  	_ =	shalt  }
0x6f: {  	_ =	shalt  }
0x70: {  	_ =	shalt  }
0x71: {  	_ =	shalt  }
0x72: {  	_ =	shalt  }
0x73: {  	_ =	shalt  }
0x74: {  	_ =	shalt  }
0x75: {  	_ =	shalt  }
0x76: {  	_ =	shalt  }
0x77: {  	_ =	shalt  }
0x78: {  	_ =	shalt  }
0x79: {  	_ =	shalt  }
0x7a: {  	_ =	shalt  }
0x7b: {  	_ =	shalt  }
0x7c: {  	_ =	shalt  }
0x7d: {  	_ =	shalt  }
0x7e: {  	_ =	shalt  }
0x7f: {  	_ =	shalt  }
0x80: {  	_ =	shalt  }
0x81: {  	_ =	shalt  }
0x82: {  	_ =	shalt  }
0x83: {  	_ =	shalt  }
0x84: {  	_ =	shalt  }
0x85: {  	_ =	shalt  }
0x86: {  	_ =	shalt  }
0x87: {  	_ =	shalt  }
.Lfunc_end0:
.L_simem_size_0:
called_computation_lowered:
.L_overlay_start_0:
0x88: {  	s2 =	sld [smem:$0x3FD9]  }
0x89: {  	s3 =	sld [smem:$0x3FFE];
	_ =	sdelay $0x1  }
0x8a: {  	s1 =	srdreg.scid  }
0x8b: {  	s0 =	sand.u32 $0x1, s1  }
0x8c: {  	s17 =	sshll.u32 s0, $0xA;
	s2 =	sadd.s32 s3, s2  }
0x8d: {  	s2 =	sadd.s32 s2, s17  }
0x8e: {  	[smem:$0x3FC4] =	sst s2  }
0x8f: {  	_ = 	snop  }
0x90: {  	s2 =	sld [smem:$0x3FD0];
	(tm) =	ssettm $0x1  }
0x91: {  	s18 =	sld [smem:$0x3FFB];
	_ =	sdelay $0x3  }
0x92: {  	_ =	strace s18  }
0x93: {  	s3 =	sld [smem:$0x3FFC];
	_ =	sdelay $0x3  }
0x94: {  	_ =	strace s3  }
0x95: {  	s3 =	sld [smem:$0x3FFD];
	_ =	sdelay $0x3  }
0x96: {  	_ =	strace s3  }
0x97: {  	_ =	strace $0x8FFFFFFF  }
0x98: {  	s19 =	sld [smem:$0x3FDB];
	_ =	sdelay $0x1  }
0x99: {  	s4 =	simm.s32 $_scs_section_size  }
0x9a: {  	s5 =	simm.s32 $_size__tile_overlayer_lowered;
	s6 =	simm.s32 $_tile_overlayer_lowered  }
0x9b: {  	s22 =	simm.s32 $0x1BFF;
	s21 =	sshll.u32 s6, $0x1;
	s3 =	sadd.s32 s4, s19  }
0x9c: {  	s7 =	simm.s32 $0x0;
	s20 =	sshll.u32 s5, $0x1;
	s5 =	sadd.s32 s21, s3  }
0x9d: {  	[timem:s7], [sflag:s22] =	dma.local [hbm:s5], s20  }
0x9e: {  	_ =	swait.ge [sflag:s22], s20  }
0x9f: {  	s4 =	ssub.s32 $0x0, s20;
	[sflag:s22] =	ssyncset.done $0x0  }
0xa0: {  	[sflag:s22] =	ssyncadd.s32 s4;
	_ =	sdelay $0x1  }
0xa1: {  	s23 =	simm.s32 $0x1B8B  }
0xa2: {  	_ =	swait.ge [sflag:s23], $0x1  }
0xa3: {  	[sflag:s23] =	ssyncset.done $0x0  }
0xa4: {  	s25 =	simm.s32 $0x1B8E;
	s24 =	sld [smem:$0x3FFE];
	[sflag:s23] =	ssyncadd.s32 $0xFFFFFFFF  }
0xa5: {  	s26 =	simm.s32 $execute0_lowered;
	[smem:$0x3FD2] =	sst s25  }
0xa6: {  	s5 =	sshll.u32 s26, $0x1;
	_ =	strace $0x80000046;
	[dreg:$0x1] =	wrdreg $0xFFFFFFFF  }
0xa7: {  	s28 =	simm.s32 $_size_execute0_lowered;
	s3 =	sadd.s32 s3, s5;
	[dreg:$0x0] =	wrdreg $0x0  }
0xa8: {  	s5 =	sshll.u32 s28, $0x1;
	[dreg:$0x2] =	wrdreg s3  }
0xa9: {  	[dreg:$0x3] =	wrdreg s5  }
0xaa: {  	[dreg:$0x4] =	wrdreg $0xC0  }
0xab: {  	_ =	task [dreg:s7], $0x5FFFF  }
0xac: {  	[dreg:$0x1] =	wrdreg $0xFFFFFFFF  }
0xad: {  	[dreg:$0x0] =	wrdreg $0x60  }
0xae: {  	[dreg:$0x2] =	wrdreg s24  }
0xaf: {  	[dreg:$0x3] =	wrdreg s2  }
0xb0: {  	[dreg:$0x4] =	wrdreg $0x9  }
0xb1: {  	_ =	task.clear_ibuf [dreg:s7], $0x5FFFF;
	_ =	strace $0x90000046  }
0xb2: {  	s29 =	simm.s32 $0x9;
	_ =	strace $0x80000048  }
0xb3: {  	_ =	swait.ge [sflag:s29], $0x1  }
0xb4: {  	[sflag:s29] =	ssyncadd.s32 $0xFFFFFFFF  }
0xb5: {  	_ =	strace $0x90000048  }
0xb6: {  	_ =	sfence  }
0xb7: {  	s30 =	sld [smem:$0x0];
	_ =	sdelay $0x2  }
0xb8: {  	s31 =	sshll.u32 s1, $0xD;
	s1 =	sshrl.u32 s1, $0x2  }
0xb9: {  	s3 =	sand.u32 $0x4000, s31;
	s1 =	sadd.s32 s1, s30  }
0xba: {  	s0 =	sor.u32 s3, s0;
	s1 =	sshll.u32 s1, $0x11  }
0xbb: {  	s0 =	sor.u32 s1, s0  }
0xbc: {  	s0 =	sadd.s32 $0x8F2B, s0  }
0xbd: {  	[sflag:s0] =	ssyncadd.remote.s32 $0x1  }
0xbe: {  	_ =	sfence.sel $0xFFFF  }
0xbf: {  	[dreg:$0x0] =	wrdreg $0xFFFFFFFF;
	(pc) =	sbr.abs _section_cstart, $3  }
0xc0: {  	[dreg:$0x1] =	wrdreg $0xFFFFFFFF  }
0xc1: {  	_ =	task.clear_ibuf [dreg:s7], $0x2FFFF;
	_ =	strace $0x9FFFFFFF  }
0xc2: {  	(tm) =	ssettm $0x7FFFFFFF  }
0xc3: {  	_ =	shalt  }
tec
execute0_lowered:
.L_overlay_start_1:
0x0: {  	(tag) =	ssettag $0x1  }
0x1: {  	s9 =	rddreg [dreg:$0x0];
	s1 =	srdreg.scid  }
0x2: {  	s0 =	stileid.u32;
	s11 =	rddreg [dreg:$0x1];
	s2 =	simm.s32 $0x0  }
0x3: {  	s14 =	simm.s32 $0xA0;
	s15 =	simm.s32 $0x300;
	s16 =	simm.s32 $0xA8  }
0x4: {  	s17 =	simm.s32 $0x5300;
	s18 =	simm.s32 $0x180;
	s19 =	simm.s32 $0x1  }
0x5: {  	s20 =	simm.s32 $0x2;
	s21 =	simm.s32 $0x3;
	s22 =	simm.s32 $0x4  }
0x6: {  	s23 =	simm.s32 $0x98;
	s4 =	sand.u32 $0x1, s1;
	s3 =	sshll.u32 s0, $0x1  }
0x7: {  	s24 =	simm.s32 $0x0;
	s1 =	rddreg [dreg:$0x2];
	s13 =	sor.u32 s4, s3  }
0x8: {  	[smem:$0x7FF] =	sst s2;
	s10 =	sadd.s32 $0x25C80, s11;
	s5 =	smul.u32 $0x27, s13  }
0x9: {  	_ =	strace $0x80000047;
	s4 =	ssub.s32 $0x2, s4;
	s6 =	smul.u32 $0x9C00, s13  }
0xa: {  	s3 =	sadd.s32 $0x200, s9;
	s7 =	sshrl.u32 s4, $0x1;
	s8 =	smul.u32 $0x1380, s13  }
.Ltmp0:
0xb: {  	p0 =	sne.s32 s13, $0x1F;
	s13 =	simm.s32 $0x5;
	(pc) =	sbr.rel .LBB2_1-.Ltmp0, $4  }
0xc: {  	s12 =	ssub.s32 s4, s7;
	s5 =	sadd.s32 s5, s9;
	s6 =	sshrl.u32 s6, $0x3  }
0xd: {  	s12 =	smax.u32 s12, $0x1;
	s4 =	sadd.s32 $0x27400, s5;
	s31 =	sadd.s32 s11, s6  }
0xe: {  	s5 =	sadd.s32 $0x27A00, s5;
	s6 =	sadd.s32 s11, s8;
	s8 =	sadd.s32 $0x278B9, s9  }
0xf: {  	s9 =	sadd.s32 $0x27EB9, s9;
	s11 =	sadd.s32 $0x26680, s11;
	s7 =	sadd.s32 $0xA00, s31  }
.LBB2_11:
0x10: {  	[tilespmem:s25+$0x180] =	vst v7;
	v2 =	vmul.f32 v2, v0  }
0x11: {  	[tilespmem:s25+$0x190] =	vst v6;
	v1 =	vmul.f32 v1, v0  }
0x12: {  	v61 =	vmul.f32 v3, v0;
	[tilespmem:s25+$0x1A0] =	vst v2  }
0x13: {  	v62 =	vmul.f32 v4, v0;
	[tilespmem:s25+$0x1B0] =	vst v1  }
0x14: {  	v63 =	vmul.f32 v5, v0;
	[tilespmem:s25+$0x1C0] =	vst v61  }
0x15: {  	[tilespmem:s25+$0x1D0] =	vst v62  }
0x16: {  	[tilespmem:s25+$0x1E0] =	vst v63  }
0x17: {  	[hbm4b:s7+s2] =	stream.linear.scatter [tilespmem:s17], [sflag:$0x4], $0x4C00, $0x38;
	[tilespmem:$0xA700] =	vst v63  }
0x18: {  	_ =	swait.ge [sflag:s21], $0x5000  }
0x19: {  	[sflag:s21] =	ssyncset.done $0x0  }
0x1a: {  	[sflag:s21] =	ssyncadd.s32 $0xFFFFB000  }
0x1b: {  	_ =	swait.ge [sflag:s22], $0x4C00  }
0x1c: {  	[sflag:s22] =	ssyncset.done $0x0  }
0x1d: {  	[sflag:s22] =	ssyncadd.s32 $0xFFFFB400  }
.LBB2_12:
0x1e: {  	s24 =	sadd.s32 $0x1, s24  }
0x1f: {  	p1 =	sne.s32 s24, s12  }
.Ltmp1:
0x20: {  	_ = 	snop;
	(pc) =	sbr.rel @!p1 .LBB2_13-.Ltmp1, $1  }
0x21: {  	_ =	sdelay $0x3  }
.LBB2_1:
.Ltmp2:
0x22: {  	(pc) =	sbr.rel @p0 .LBB2_7-.Ltmp2, $1  }
0x23: {  	_ =	sdelay $0x3  }
0x24: {  	[tilespmem:s2], [sflag:$0x5] =	stream.linear.gather [hbm4b:s8+s2], $0x148, $0x38;
	[tilespmem:$0xA700] =	vst v63  }
0x25: {  	_ =	swait.ge [sflag:s13], $0x148  }
0x26: {  	[sflag:s13] =	ssyncset.done $0x0  }
0x27: {  	[sflag:s13] =	ssyncadd.s32 $0xFFFFFEB8  }
0x28: {  	[tilespmem:s15], [sflag:$0x1] =	stream.indirect.gather [hbm4b:s3+s14], $0x80, s2, s14, $0xb8;
	[tilespmem:$0xA700] =	vst v63  }
0x29: {  	_ = 	snop  }
0x2a: {  	[tilespmem:s17], [sflag:$0x2] =	stream.indirect.gather [hbm4b:s3+s16], $0x80, s14, s16, $0xb8;
	[tilespmem:$0xA700] =	vst v63  }
0x2b: {  	_ = 	snop  }
0x2c: {  	[tilespmem:s18], [sflag:$0x5] =	stream.linear.gather [hbm4b:s9+s2], $0x148, $0x38;
	[tilespmem:$0xA700] =	vst v63  }
0x2d: {  	_ =	swait.ge [sflag:s13], $0x148  }
0x2e: {  	[sflag:s13] =	ssyncset.done $0x0  }
0x2f: {  	[sflag:s13] =	ssyncadd.s32 $0xFFFFFEB8  }
0x30: {  	_ =	swait.ge [sflag:s19], $0x5000  }
0x31: {  	[sflag:s19] =	ssyncset.done $0x0  }
0x32: {  	s26 =	simm.s32 $0x182;
	[sflag:s19] =	ssyncadd.s32 $0xFFFFB000  }
0x33: {  	s25 =	simm.s32 $0x400;
	v0 =	vld.msk [tilespmem:s26+$0x1 ss:$0x0], $0xffff  }
0x34: {  	v1 =	vld [tilespmem:s25+$0xF0]  }
0x35: {  	v2 =	vld.msk [tilespmem:s26+$0xFFFFFFFE ss:$0x0], $0xffff  }
0x36: {  	v3 =	vld [tilespmem:s25+$0xFFFFFF00]  }
0x37: {  	v4 =	vld [tilespmem:s25+$0xFFFFFF10]  }
0x38: {  	v5 =	vld [tilespmem:s25+$0xFFFFFF20]  }
0x39: {  	v6 =	vld [tilespmem:s25+$0xFFFFFF30]  }
0x3a: {  	v9 =	vld [tilespmem:s25+$0xFFFFFF60]  }
0x3b: {  	v7 =	vld [tilespmem:s25+$0xFFFFFF40]  }
0x3c: {  	v8 =	vld [tilespmem:s25+$0xFFFFFF50];
	v3 =	vmul.f32 v2, v3  }
0x3d: {  	v10 =	vld.msk [tilespmem:s26+$0xFFFFFFFF ss:$0x0], $0xffff;
	v1 =	vmul.f32 v1, v0  }
0x3e: {  	v11 =	vld [tilespmem:s25+$0xFFFFFF80];
	v4 =	vmul.f32 v4, v2;
	[tilespmem:s25+$0xFFFFFF00] =	vst v3  }
0x3f: {  	v61 =	vld [tilespmem:s25+$0xFFFFFFD0];
	v9 =	vmul.f32 v9, v2;
	[tilespmem:s25+$0xF0] =	vst v1  }
0x40: {  	v3 =	vld [tilespmem:s25+$0xFFFFFF70];
	v1 =	vmul.f32 v5, v2;
	[tilespmem:s25+$0xFFFFFF10] =	vst v4  }
0x41: {  	v5 =	vld [tilespmem:s25+$0xFFFFFF90];
	v4 =	vmul.f32 v6, v2;
	[tilespmem:s25+$0xFFFFFF60] =	vst v9  }
0x42: {  	v6 =	vld [tilespmem:s25+$0xFFFFFFA0];
	[tilespmem:s25+$0xFFFFFF20] =	vst v1;
	v1 =	vmul.f32 v7, v2  }
0x43: {  	v7 =	vld [tilespmem:s25+$0xFFFFFFB0];
	[tilespmem:s25+$0xFFFFFF30] =	vst v4;
	v4 =	vmul.f32 v8, v2  }
0x44: {  	v8 =	vld [tilespmem:s25+$0xFFFFFFC0];
	[tilespmem:s25+$0xFFFFFF40] =	vst v1;
	v1 =	vmul.f32 v10, v11  }
0x45: {  	[tilespmem:s25+$0xFFFFFF50] =	vst v4;
	v4 =	vld [tilespmem:s25+$0xFFFFFFE0];
	v2 =	vmul.f32 v3, v2  }
0x46: {  	v3 =	vld.msk [tilespmem:s26+$0x0 ss:$0x0], $0xffff;
	[tilespmem:s25+$0xFFFFFF80] =	vst v1;
	v1 =	vmul.f32 v5, v10  }
0x47: {  	v5 =	vld [tilespmem:s25+$0xFFFFFFF0];
	[tilespmem:s25+$0xFFFFFF70] =	vst v2;
	v2 =	vmul.f32 v6, v10  }
0x48: {  	v6 =	vld [tilespmem:s25+$0x0];
	[tilespmem:s25+$0xFFFFFF90] =	vst v1;
	v1 =	vmul.f32 v7, v10  }
0x49: {  	v7 =	vld [tilespmem:s25+$0x10];
	[tilespmem:s25+$0xFFFFFFA0] =	vst v2;
	v2 =	vmul.f32 v8, v10  }
0x4a: {  	v8 =	vld [tilespmem:s25+$0x20];
	[tilespmem:s25+$0xFFFFFFB0] =	vst v1;
	v1 =	vmul.f32 v61, v10  }
0x4b: {  	v62 =	vld [tilespmem:s25+$0x30];
	[tilespmem:s25+$0xFFFFFFC0] =	vst v2;
	v2 =	vmul.f32 v4, v10  }
0x4c: {  	v4 =	vld [tilespmem:s25+$0x40];
	v5 =	vmul.f32 v5, v10;
	[tilespmem:s25+$0xFFFFFFD0] =	vst v1  }
0x4d: {  	v1 =	vmul.f32 v3, v6;
	v6 =	vld [tilespmem:s25+$0x50];
	[tilespmem:s25+$0xFFFFFFE0] =	vst v2  }
0x4e: {  	v63 =	vld [tilespmem:s25+$0x60];
	v2 =	vmul.f32 v7, v3;
	[tilespmem:s25+$0xFFFFFFF0] =	vst v5  }
0x4f: {  	v5 =	vld [tilespmem:s25+$0x70];
	[tilespmem:s25+$0x0] =	vst v1;
	v1 =	vmul.f32 v8, v3  }
0x50: {  	v7 =	vld [tilespmem:s25+$0x80];
	[tilespmem:s25+$0x10] =	vst v2;
	v2 =	vmul.f32 v62, v3  }
0x51: {  	v8 =	vld [tilespmem:s25+$0x90];
	[tilespmem:s25+$0x20] =	vst v1;
	v1 =	vmul.f32 v4, v3  }
0x52: {  	[tilespmem:s25+$0x30] =	vst v2;
	v4 =	vmul.f32 v6, v3;
	v2 =	vld [tilespmem:s25+$0xA0]  }
0x53: {  	v6 =	vmul.f32 v63, v3;
	[tilespmem:s25+$0x40] =	vst v1;
	v1 =	vld [tilespmem:s25+$0xB0]  }
0x54: {  	v5 =	vmul.f32 v5, v3;
	v3 =	vld [tilespmem:s25+$0xC0];
	[tilespmem:s25+$0x50] =	vst v4  }
0x55: {  	v7 =	vmul.f32 v0, v7;
	[tilespmem:s25+$0x60] =	vst v6;
	v4 =	vld [tilespmem:s25+$0xD0]  }
0x56: {  	s28 =	simm.s32 $0x186;
	s29 =	simm.s32 $0x400;
	s26 =	simm.s32 $0x0;
	v6 =	vmul.f32 v8, v0;
	[tilespmem:s25+$0x70] =	vst v5;
	v5 =	vld [tilespmem:s25+$0xE0]  }
.LBB2_3:
0x57: {  	v8 =	vld.msk [tilespmem:s28+$0x1 ss:$0x0], $0xffff;
	s26 =	sadd.s32 $0x4, s26;
	[tilespmem:s25+$0x80] =	vst v7;
	v2 =	vmul.f32 v2, v0;
	s29 =	sadd.s32 $0x200, s29  }
0x58: {  	v7 =	vld [tilespmem:s29+$0xF0];
	p1 =	slt.u32 s26, $0x9C;
	[tilespmem:s25+$0x90] =	vst v6;
	v1 =	vmul.f32 v1, v0  }
0x59: {  	v6 =	vld.msk [tilespmem:s28+$0xFFFFFFFF ss:$0x0], $0xffff;
	[tilespmem:s25+$0xA0] =	vst v2;
	v2 =	vmul.f32 v3, v0  }
0x5a: {  	v3 =	vld.msk [tilespmem:s28+$0x0 ss:$0x0], $0xffff;
	[tilespmem:s25+$0xB0] =	vst v1;
	v1 =	vmul.f32 v4, v0  }
0x5b: {  	v4 =	vld.msk [tilespmem:s28+$0xFFFFFFFE ss:$0x0], $0xffff;
	[tilespmem:s25+$0xC0] =	vst v2;
	v9 =	vmul.f32 v5, v0  }
0x5c: {  	v2 =	vld [tilespmem:s29+$0xFFFFFF00];
	[tilespmem:s25+$0xD0] =	vst v1  }
0x5d: {  	v0 =	vmov v8;
	v1 =	vld [tilespmem:s29+$0xFFFFFF10];
	v5 =	vmul.f32 v7, v8;
	[tilespmem:s25+$0xE0] =	vst v9;
	s25 =	smov.u32 s29  }
0x5e: {  	v7 =	vld [tilespmem:s29+$0xFFFFFF20]  }
0x5f: {  	v8 =	vld [tilespmem:s29+$0xFFFFFF30];
	[tilespmem:s29+$0xF0] =	vst v5  }
0x60: {  	v5 =	vld [tilespmem:s29+$0xFFFFFF40]  }
0x61: {  	v2 =	vmul.f32 v4, v2;
	v9 =	vld [tilespmem:s29+$0xFFFFFF50]  }
0x62: {  	v1 =	vmul.f32 v1, v4;
	v10 =	vld [tilespmem:s29+$0xFFFFFF60]  }
0x63: {  	[tilespmem:s29+$0xFFFFFF00] =	vst v2;
	v2 =	vmul.f32 v7, v4;
	v7 =	vld [tilespmem:s29+$0xFFFFFF70]  }
0x64: {  	[tilespmem:s29+$0xFFFFFF10] =	vst v1;
	v1 =	vmul.f32 v8, v4;
	v8 =	vld [tilespmem:s29+$0xFFFFFF80]  }
0x65: {  	[tilespmem:s29+$0xFFFFFF20] =	vst v2;
	v2 =	vmul.f32 v5, v4;
	v5 =	vld [tilespmem:s29+$0xFFFFFF90]  }
0x66: {  	[tilespmem:s29+$0xFFFFFF30] =	vst v1;
	v1 =	vmul.f32 v9, v4;
	v9 =	vld [tilespmem:s29+$0xFFFFFFA0]  }
0x67: {  	[tilespmem:s29+$0xFFFFFF40] =	vst v2;
	v2 =	vmul.f32 v10, v4;
	v10 =	vld [tilespmem:s29+$0xFFFFFFB0]  }
0x68: {  	[tilespmem:s29+$0xFFFFFF50] =	vst v1;
	v1 =	vmul.f32 v7, v4;
	v4 =	vld [tilespmem:s29+$0xFFFFFFC0]  }
0x69: {  	[tilespmem:s29+$0xFFFFFF60] =	vst v2;
	v2 =	vmul.f32 v6, v8;
	v7 =	vld [tilespmem:s29+$0xFFFFFFD0]  }
0x6a: {  	[tilespmem:s29+$0xFFFFFF70] =	vst v1;
	v1 =	vmul.f32 v5, v6;
	v5 =	vld [tilespmem:s29+$0xFFFFFFE0]  }
0x6b: {  	[tilespmem:s29+$0xFFFFFF80] =	vst v2;
	v2 =	vmul.f32 v9, v6;
	v8 =	vld [tilespmem:s29+$0xFFFFFFF0]  }
0x6c: {  	[tilespmem:s29+$0xFFFFFF90] =	vst v1;
	v1 =	vmul.f32 v10, v6;
	v9 =	vld [tilespmem:s29+$0x0]  }
0x6d: {  	[tilespmem:s29+$0xFFFFFFA0] =	vst v2;
	v2 =	vmul.f32 v4, v6;
	v4 =	vld [tilespmem:s29+$0x10]  }
0x6e: {  	[tilespmem:s29+$0xFFFFFFB0] =	vst v1;
	v1 =	vmul.f32 v7, v6;
	v7 =	vld [tilespmem:s29+$0x20]  }
0x6f: {  	[tilespmem:s29+$0xFFFFFFC0] =	vst v2;
	v2 =	vmul.f32 v5, v6;
	v5 =	vld [tilespmem:s29+$0x30]  }
0x70: {  	[tilespmem:s29+$0xFFFFFFD0] =	vst v1;
	v1 =	vmul.f32 v8, v6;
	v6 =	vld [tilespmem:s29+$0x40]  }
0x71: {  	[tilespmem:s29+$0xFFFFFFE0] =	vst v2;
	v2 =	vmul.f32 v3, v9;
	v8 =	vld [tilespmem:s29+$0x50]  }
0x72: {  	[tilespmem:s29+$0xFFFFFFF0] =	vst v1;
	v1 =	vmul.f32 v4, v3;
	v4 =	vld [tilespmem:s29+$0x60]  }
0x73: {  	[tilespmem:s29+$0x0] =	vst v2;
	v2 =	vmul.f32 v7, v3;
	v7 =	vld [tilespmem:s29+$0x70]  }
0x74: {  	[tilespmem:s29+$0x10] =	vst v1;
	v1 =	vmul.f32 v5, v3;
	v5 =	vld [tilespmem:s29+$0x80]  }
0x75: {  	[tilespmem:s29+$0x20] =	vst v2;
	v6 =	vmul.f32 v6, v3;
	v9 =	vld [tilespmem:s29+$0x90]  }
.Ltmp3:
0x76: {  	[tilespmem:s29+$0x30] =	vst v1;
	v8 =	vmul.f32 v8, v3;
	v2 =	vld [tilespmem:s29+$0xA0];
	(pc) =	sbr.rel @p1 .LBB2_3-.Ltmp3, $4  }
0x77: {  	[tilespmem:s29+$0x40] =	vst v6;
	v4 =	vmul.f32 v4, v3;
	v1 =	vld [tilespmem:s29+$0xB0]  }
0x78: {  	[tilespmem:s29+$0x50] =	vst v8;
	v6 =	vmul.f32 v7, v3;
	v3 =	vld [tilespmem:s29+$0xC0]  }
0x79: {  	[tilespmem:s29+$0x60] =	vst v4;
	v7 =	vmul.f32 v0, v5;
	v4 =	vld [tilespmem:s29+$0xD0]  }
0x7a: {  	s28 =	sadd.s32 $0x4, s28;
	[tilespmem:s29+$0x70] =	vst v6;
	v6 =	vmul.f32 v9, v0;
	v5 =	vld [tilespmem:s29+$0xE0]  }
0x7b: {  	[tilespmem:s25+$0x80] =	vst v7;
	v2 =	vmul.f32 v2, v0  }
0x7c: {  	[tilespmem:s25+$0x90] =	vst v6;
	v1 =	vmul.f32 v1, v0  }
0x7d: {  	[tilespmem:s25+$0xA0] =	vst v2;
	v2 =	vmul.f32 v3, v0  }
0x7e: {  	[tilespmem:s25+$0xB0] =	vst v1;
	v1 =	vmul.f32 v4, v0  }
0x7f: {  	[tilespmem:s25+$0xC0] =	vst v2;
	v0 =	vmul.f32 v5, v0  }
0x80: {  	[tilespmem:s25+$0xD0] =	vst v1  }
0x81: {  	[tilespmem:s25+$0xE0] =	vst v0  }
0x82: {  	[hbm4b:s10+s2] =	stream.linear.scatter [tilespmem:s15], [sflag:$0x3], $0x5000, $0x38;
	[tilespmem:$0xA700] =	vst v63  }
0x83: {  	_ =	swait.ge [sflag:s20], $0x5400  }
0x84: {  	[sflag:s20] =	ssyncset.done $0x0  }
0x85: {  	s26 =	simm.s32 $0x223;
	[sflag:s20] =	ssyncadd.s32 $0xFFFFAC00  }
0x86: {  	s25 =	simm.s32 $0x5300;
	v0 =	vld.msk [tilespmem:s26+$0x0 ss:$0x0], $0xffff  }
0x87: {  	v1 =	vld [tilespmem:s25+$0x1F0]  }
0x88: {  	v2 =	vld.msk [tilespmem:s26+$0xFFFFFFFD ss:$0x0], $0xffff  }
0x89: {  	v3 =	vld [tilespmem:s25+$0x0]  }
0x8a: {  	v4 =	vld [tilespmem:s25+$0x10]  }
0x8b: {  	v5 =	vld [tilespmem:s25+$0x20]  }
0x8c: {  	v6 =	vld [tilespmem:s25+$0x30]  }
0x8d: {  	v9 =	vld [tilespmem:s25+$0x60]  }
0x8e: {  	v7 =	vld [tilespmem:s25+$0x40]  }
0x8f: {  	v8 =	vld [tilespmem:s25+$0x50];
	v3 =	vmul.f32 v2, v3  }
0x90: {  	v10 =	vld.msk [tilespmem:s26+$0xFFFFFFFE ss:$0x0], $0xffff;
	v1 =	vmul.f32 v1, v0  }
0x91: {  	v11 =	vld [tilespmem:s25+$0x80];
	v4 =	vmul.f32 v4, v2;
	[tilespmem:s25+$0x0] =	vst v3  }
0x92: {  	v61 =	vld [tilespmem:s25+$0xD0];
	v9 =	vmul.f32 v9, v2;
	[tilespmem:s25+$0x1F0] =	vst v1  }
0x93: {  	v3 =	vld [tilespmem:s25+$0x70];
	v1 =	vmul.f32 v5, v2;
	[tilespmem:s25+$0x10] =	vst v4  }
0x94: {  	v5 =	vld [tilespmem:s25+$0x90];
	v4 =	vmul.f32 v6, v2;
	[tilespmem:s25+$0x60] =	vst v9  }
0x95: {  	v6 =	vld [tilespmem:s25+$0xA0];
	[tilespmem:s25+$0x20] =	vst v1;
	v1 =	vmul.f32 v7, v2  }
0x96: {  	v7 =	vld [tilespmem:s25+$0xB0];
	[tilespmem:s25+$0x30] =	vst v4;
	v4 =	vmul.f32 v8, v2  }
0x97: {  	v8 =	vld [tilespmem:s25+$0xC0];
	[tilespmem:s25+$0x40] =	vst v1;
	v1 =	vmul.f32 v10, v11  }
0x98: {  	[tilespmem:s25+$0x50] =	vst v4;
	v4 =	vld [tilespmem:s25+$0xE0];
	v2 =	vmul.f32 v3, v2  }
0x99: {  	v3 =	vld.msk [tilespmem:s26+$0xFFFFFFFF ss:$0x0], $0xffff;
	[tilespmem:s25+$0x80] =	vst v1;
	v1 =	vmul.f32 v5, v10  }
0x9a: {  	v5 =	vld [tilespmem:s25+$0xF0];
	[tilespmem:s25+$0x70] =	vst v2;
	v2 =	vmul.f32 v6, v10  }
0x9b: {  	v6 =	vld [tilespmem:s25+$0x100];
	[tilespmem:s25+$0x90] =	vst v1;
	v1 =	vmul.f32 v7, v10  }
0x9c: {  	v7 =	vld [tilespmem:s25+$0x110];
	[tilespmem:s25+$0xA0] =	vst v2;
	v2 =	vmul.f32 v8, v10  }
0x9d: {  	v8 =	vld [tilespmem:s25+$0x120];
	[tilespmem:s25+$0xB0] =	vst v1;
	v1 =	vmul.f32 v61, v10  }
0x9e: {  	v62 =	vld [tilespmem:s25+$0x130];
	[tilespmem:s25+$0xC0] =	vst v2;
	v2 =	vmul.f32 v4, v10  }
0x9f: {  	v4 =	vld [tilespmem:s25+$0x140];
	v5 =	vmul.f32 v5, v10;
	[tilespmem:s25+$0xD0] =	vst v1  }
0xa0: {  	v1 =	vmul.f32 v3, v6;
	v6 =	vld [tilespmem:s25+$0x150];
	[tilespmem:s25+$0xE0] =	vst v2  }
0xa1: {  	v63 =	vld [tilespmem:s25+$0x160];
	v2 =	vmul.f32 v7, v3;
	[tilespmem:s25+$0xF0] =	vst v5  }
0xa2: {  	v5 =	vld [tilespmem:s25+$0x170];
	[tilespmem:s25+$0x100] =	vst v1;
	v1 =	vmul.f32 v8, v3  }
0xa3: {  	v7 =	vld [tilespmem:s25+$0x180];
	[tilespmem:s25+$0x110] =	vst v2;
	v2 =	vmul.f32 v62, v3  }
0xa4: {  	v8 =	vld [tilespmem:s25+$0x190];
	[tilespmem:s25+$0x120] =	vst v1;
	v1 =	vmul.f32 v4, v3  }
0xa5: {  	[tilespmem:s25+$0x130] =	vst v2;
	v4 =	vmul.f32 v6, v3;
	v2 =	vld [tilespmem:s25+$0x1A0]  }
0xa6: {  	v6 =	vmul.f32 v63, v3;
	[tilespmem:s25+$0x140] =	vst v1;
	v1 =	vld [tilespmem:s25+$0x1B0]  }
0xa7: {  	v5 =	vmul.f32 v5, v3;
	v3 =	vld [tilespmem:s25+$0x1C0];
	[tilespmem:s25+$0x150] =	vst v4  }
0xa8: {  	v7 =	vmul.f32 v0, v7;
	[tilespmem:s25+$0x160] =	vst v6;
	v4 =	vld [tilespmem:s25+$0x1D0]  }
0xa9: {  	s28 =	simm.s32 $0x227;
	s29 =	simm.s32 $0x5300;
	s26 =	simm.s32 $0xA0;
	v6 =	vmul.f32 v8, v0;
	[tilespmem:s25+$0x170] =	vst v5;
	v5 =	vld [tilespmem:s25+$0x1E0]  }
.LBB2_5:
0xaa: {  	v8 =	vld.msk [tilespmem:s28+$0x0 ss:$0x0], $0xffff;
	s26 =	sadd.s32 $0x4, s26;
	[tilespmem:s25+$0x180] =	vst v7;
	v2 =	vmul.f32 v2, v0;
	s29 =	sadd.s32 $0x200, s29  }
0xab: {  	v7 =	vld [tilespmem:s29+$0x1F0];
	p1 =	slt.u32 s26, $0x144;
	[tilespmem:s25+$0x190] =	vst v6;
	v1 =	vmul.f32 v1, v0  }
0xac: {  	v6 =	vld.msk [tilespmem:s28+$0xFFFFFFFE ss:$0x0], $0xffff;
	[tilespmem:s25+$0x1A0] =	vst v2;
	v2 =	vmul.f32 v3, v0  }
0xad: {  	v3 =	vld.msk [tilespmem:s28+$0xFFFFFFFF ss:$0x0], $0xffff;
	[tilespmem:s25+$0x1B0] =	vst v1;
	v1 =	vmul.f32 v4, v0  }
0xae: {  	v4 =	vld.msk [tilespmem:s28+$0xFFFFFFFD ss:$0x0], $0xffff;
	[tilespmem:s25+$0x1C0] =	vst v2;
	v9 =	vmul.f32 v5, v0  }
0xaf: {  	v2 =	vld [tilespmem:s29+$0x0];
	[tilespmem:s25+$0x1D0] =	vst v1  }
0xb0: {  	v0 =	vmov v8;
	v1 =	vld [tilespmem:s29+$0x10];
	v5 =	vmul.f32 v7, v8;
	[tilespmem:s25+$0x1E0] =	vst v9;
	s25 =	smov.u32 s29  }
0xb1: {  	v7 =	vld [tilespmem:s29+$0x20]  }
0xb2: {  	v8 =	vld [tilespmem:s29+$0x30];
	[tilespmem:s29+$0x1F0] =	vst v5  }
0xb3: {  	v5 =	vld [tilespmem:s29+$0x40]  }
0xb4: {  	v2 =	vmul.f32 v4, v2;
	v9 =	vld [tilespmem:s29+$0x50]  }
0xb5: {  	v1 =	vmul.f32 v1, v4;
	v10 =	vld [tilespmem:s29+$0x60]  }
0xb6: {  	[tilespmem:s29+$0x0] =	vst v2;
	v2 =	vmul.f32 v7, v4;
	v7 =	vld [tilespmem:s29+$0x70]  }
0xb7: {  	[tilespmem:s29+$0x10] =	vst v1;
	v1 =	vmul.f32 v8, v4;
	v8 =	vld [tilespmem:s29+$0x80]  }
0xb8: {  	[tilespmem:s29+$0x20] =	vst v2;
	v2 =	vmul.f32 v5, v4;
	v5 =	vld [tilespmem:s29+$0x90]  }
0xb9: {  	[tilespmem:s29+$0x30] =	vst v1;
	v1 =	vmul.f32 v9, v4;
	v9 =	vld [tilespmem:s29+$0xA0]  }
0xba: {  	[tilespmem:s29+$0x40] =	vst v2;
	v2 =	vmul.f32 v10, v4;
	v10 =	vld [tilespmem:s29+$0xB0]  }
0xbb: {  	[tilespmem:s29+$0x50] =	vst v1;
	v1 =	vmul.f32 v7, v4;
	v4 =	vld [tilespmem:s29+$0xC0]  }
0xbc: {  	[tilespmem:s29+$0x60] =	vst v2;
	v2 =	vmul.f32 v6, v8;
	v7 =	vld [tilespmem:s29+$0xD0]  }
0xbd: {  	[tilespmem:s29+$0x70] =	vst v1;
	v1 =	vmul.f32 v5, v6;
	v5 =	vld [tilespmem:s29+$0xE0]  }
0xbe: {  	[tilespmem:s29+$0x80] =	vst v2;
	v2 =	vmul.f32 v9, v6;
	v8 =	vld [tilespmem:s29+$0xF0]  }
0xbf: {  	[tilespmem:s29+$0x90] =	vst v1;
	v1 =	vmul.f32 v10, v6;
	v9 =	vld [tilespmem:s29+$0x100]  }
0xc0: {  	[tilespmem:s29+$0xA0] =	vst v2;
	v2 =	vmul.f32 v4, v6;
	v4 =	vld [tilespmem:s29+$0x110]  }
0xc1: {  	[tilespmem:s29+$0xB0] =	vst v1;
	v1 =	vmul.f32 v7, v6;
	v7 =	vld [tilespmem:s29+$0x120]  }
0xc2: {  	[tilespmem:s29+$0xC0] =	vst v2;
	v2 =	vmul.f32 v5, v6;
	v5 =	vld [tilespmem:s29+$0x130]  }
0xc3: {  	[tilespmem:s29+$0xD0] =	vst v1;
	v1 =	vmul.f32 v8, v6;
	v6 =	vld [tilespmem:s29+$0x140]  }
0xc4: {  	[tilespmem:s29+$0xE0] =	vst v2;
	v2 =	vmul.f32 v3, v9;
	v8 =	vld [tilespmem:s29+$0x150]  }
0xc5: {  	[tilespmem:s29+$0xF0] =	vst v1;
	v1 =	vmul.f32 v4, v3;
	v4 =	vld [tilespmem:s29+$0x160]  }
0xc6: {  	[tilespmem:s29+$0x100] =	vst v2;
	v2 =	vmul.f32 v7, v3;
	v7 =	vld [tilespmem:s29+$0x170]  }
0xc7: {  	[tilespmem:s29+$0x110] =	vst v1;
	v1 =	vmul.f32 v5, v3;
	v5 =	vld [tilespmem:s29+$0x180]  }
0xc8: {  	[tilespmem:s29+$0x120] =	vst v2;
	v6 =	vmul.f32 v6, v3;
	v9 =	vld [tilespmem:s29+$0x190]  }
.Ltmp4:
0xc9: {  	[tilespmem:s29+$0x130] =	vst v1;
	v8 =	vmul.f32 v8, v3;
	v2 =	vld [tilespmem:s29+$0x1A0];
	(pc) =	sbr.rel @p1 .LBB2_5-.Ltmp4, $4  }
0xca: {  	[tilespmem:s29+$0x140] =	vst v6;
	v4 =	vmul.f32 v4, v3;
	v1 =	vld [tilespmem:s29+$0x1B0]  }
0xcb: {  	[tilespmem:s29+$0x150] =	vst v8;
	v6 =	vmul.f32 v7, v3;
	v3 =	vld [tilespmem:s29+$0x1C0]  }
0xcc: {  	[tilespmem:s29+$0x160] =	vst v4;
	v7 =	vmul.f32 v0, v5;
	v4 =	vld [tilespmem:s29+$0x1D0]  }
0xcd: {  	s28 =	sadd.s32 $0x4, s28;
	[tilespmem:s29+$0x170] =	vst v6;
	v6 =	vmul.f32 v9, v0;
	v5 =	vld [tilespmem:s29+$0x1E0]  }
0xce: {  	[tilespmem:s25+$0x180] =	vst v7;
	v2 =	vmul.f32 v2, v0  }
0xcf: {  	[tilespmem:s25+$0x190] =	vst v6;
	v1 =	vmul.f32 v1, v0  }
0xd0: {  	[tilespmem:s25+$0x1A0] =	vst v2;
	v61 =	vmul.f32 v3, v0  }
0xd1: {  	[tilespmem:s25+$0x1B0] =	vst v1;
	v62 =	vmul.f32 v4, v0  }
0xd2: {  	[tilespmem:s25+$0x1C0] =	vst v61;
	v63 =	vmul.f32 v5, v0  }
0xd3: {  	[tilespmem:s25+$0x1D0] =	vst v62  }
0xd4: {  	[tilespmem:s25+$0x1E0] =	vst v63  }
0xd5: {  	[hbm4b:s11+s2] =	stream.linear.scatter [tilespmem:s17], [sflag:$0x4], $0x5400, $0x38;
	[tilespmem:$0xA700] =	vst v63  }
0xd6: {  	_ =	swait.ge [sflag:s21], $0x5000  }
.Ltmp5:
0xd7: {  	[sflag:s21] =	ssyncset.done $0x0;
	(pc) =	sbr.rel .LBB2_12-.Ltmp5, $4  }
0xd8: {  	[sflag:s21] =	ssyncadd.s32 $0xFFFFB000  }
0xd9: {  	_ =	swait.ge [sflag:s22], $0x5400  }
0xda: {  	[sflag:s22] =	ssyncset.done $0x0  }
0xdb: {  	[sflag:s22] =	ssyncadd.s32 $0xFFFFAC00  }
.LBB2_7:
0xdc: {  	[tilespmem:s2], [sflag:$0x5] =	stream.linear.gather [hbm4b:s4+s2], $0x138, $0x38;
	[tilespmem:$0xA700] =	vst v63  }
0xdd: {  	_ =	swait.ge [sflag:s13], $0x138  }
0xde: {  	[sflag:s13] =	ssyncset.done $0x0  }
0xdf: {  	[sflag:s13] =	ssyncadd.s32 $0xFFFFFEC8  }
0xe0: {  	[tilespmem:s15], [sflag:$0x1] =	stream.indirect.gather [hbm4b:s3+s14], $0x80, s2, s14, $0xb8;
	[tilespmem:$0xA700] =	vst v63  }
0xe1: {  	_ = 	snop  }
0xe2: {  	[tilespmem:s17], [sflag:$0x2] =	stream.indirect.gather [hbm4b:s3+s23], $0x80, s14, s23, $0xb8;
	[tilespmem:$0xA700] =	vst v63  }
0xe3: {  	_ = 	snop  }
0xe4: {  	[tilespmem:s18], [sflag:$0x5] =	stream.linear.gather [hbm4b:s5+s2], $0x138, $0x38;
	[tilespmem:$0xA700] =	vst v63  }
0xe5: {  	_ =	swait.ge [sflag:s13], $0x138  }
0xe6: {  	[sflag:s13] =	ssyncset.done $0x0  }
0xe7: {  	[sflag:s13] =	ssyncadd.s32 $0xFFFFFEC8  }
0xe8: {  	_ =	swait.ge [sflag:s19], $0x5000  }
0xe9: {  	[sflag:s19] =	ssyncset.done $0x0  }
0xea: {  	s26 =	simm.s32 $0x182;
	[sflag:s19] =	ssyncadd.s32 $0xFFFFB000  }
0xeb: {  	s25 =	simm.s32 $0x400;
	v0 =	vld.msk [tilespmem:s26+$0x1 ss:$0x0], $0xffff  }
0xec: {  	v1 =	vld [tilespmem:s25+$0xF0]  }
0xed: {  	v2 =	vld.msk [tilespmem:s26+$0xFFFFFFFE ss:$0x0], $0xffff  }
0xee: {  	v3 =	vld [tilespmem:s25+$0xFFFFFF00]  }
0xef: {  	v4 =	vld [tilespmem:s25+$0xFFFFFF10]  }
0xf0: {  	v5 =	vld [tilespmem:s25+$0xFFFFFF20]  }
0xf1: {  	v6 =	vld [tilespmem:s25+$0xFFFFFF30]  }
0xf2: {  	v9 =	vld [tilespmem:s25+$0xFFFFFF60]  }
0xf3: {  	v7 =	vld [tilespmem:s25+$0xFFFFFF40]  }
0xf4: {  	v8 =	vld [tilespmem:s25+$0xFFFFFF50];
	v3 =	vmul.f32 v2, v3  }
0xf5: {  	v10 =	vld.msk [tilespmem:s26+$0xFFFFFFFF ss:$0x0], $0xffff;
	v1 =	vmul.f32 v1, v0  }
0xf6: {  	v11 =	vld [tilespmem:s25+$0xFFFFFF80];
	v4 =	vmul.f32 v4, v2;
	[tilespmem:s25+$0xFFFFFF00] =	vst v3  }
0xf7: {  	v61 =	vld [tilespmem:s25+$0xFFFFFFD0];
	v9 =	vmul.f32 v9, v2;
	[tilespmem:s25+$0xF0] =	vst v1  }
0xf8: {  	v3 =	vld [tilespmem:s25+$0xFFFFFF70];
	v1 =	vmul.f32 v5, v2;
	[tilespmem:s25+$0xFFFFFF10] =	vst v4  }
0xf9: {  	v5 =	vld [tilespmem:s25+$0xFFFFFF90];
	v4 =	vmul.f32 v6, v2;
	[tilespmem:s25+$0xFFFFFF60] =	vst v9  }
0xfa: {  	v6 =	vld [tilespmem:s25+$0xFFFFFFA0];
	[tilespmem:s25+$0xFFFFFF20] =	vst v1;
	v1 =	vmul.f32 v7, v2  }
0xfb: {  	v7 =	vld [tilespmem:s25+$0xFFFFFFB0];
	[tilespmem:s25+$0xFFFFFF30] =	vst v4;
	v4 =	vmul.f32 v8, v2  }
0xfc: {  	v8 =	vld [tilespmem:s25+$0xFFFFFFC0];
	[tilespmem:s25+$0xFFFFFF40] =	vst v1;
	v1 =	vmul.f32 v10, v11  }
0xfd: {  	[tilespmem:s25+$0xFFFFFF50] =	vst v4;
	v4 =	vld [tilespmem:s25+$0xFFFFFFE0];
	v2 =	vmul.f32 v3, v2  }
0xfe: {  	v3 =	vld.msk [tilespmem:s26+$0x0 ss:$0x0], $0xffff;
	[tilespmem:s25+$0xFFFFFF80] =	vst v1;
	v1 =	vmul.f32 v5, v10  }
0xff: {  	v5 =	vld [tilespmem:s25+$0xFFFFFFF0];
	[tilespmem:s25+$0xFFFFFF70] =	vst v2;
	v2 =	vmul.f32 v6, v10  }
0x100: {  	v6 =	vld [tilespmem:s25+$0x0];
	[tilespmem:s25+$0xFFFFFF90] =	vst v1;
	v1 =	vmul.f32 v7, v10  }
0x101: {  	v7 =	vld [tilespmem:s25+$0x10];
	[tilespmem:s25+$0xFFFFFFA0] =	vst v2;
	v2 =	vmul.f32 v8, v10  }
0x102: {  	v8 =	vld [tilespmem:s25+$0x20];
	[tilespmem:s25+$0xFFFFFFB0] =	vst v1;
	v1 =	vmul.f32 v61, v10  }
0x103: {  	v62 =	vld [tilespmem:s25+$0x30];
	[tilespmem:s25+$0xFFFFFFC0] =	vst v2;
	v2 =	vmul.f32 v4, v10  }
0x104: {  	v4 =	vld [tilespmem:s25+$0x40];
	v5 =	vmul.f32 v5, v10;
	[tilespmem:s25+$0xFFFFFFD0] =	vst v1  }
0x105: {  	v1 =	vmul.f32 v3, v6;
	v6 =	vld [tilespmem:s25+$0x50];
	[tilespmem:s25+$0xFFFFFFE0] =	vst v2  }
0x106: {  	v63 =	vld [tilespmem:s25+$0x60];
	v2 =	vmul.f32 v7, v3;
	[tilespmem:s25+$0xFFFFFFF0] =	vst v5  }
0x107: {  	v5 =	vld [tilespmem:s25+$0x70];
	[tilespmem:s25+$0x0] =	vst v1;
	v1 =	vmul.f32 v8, v3  }
0x108: {  	v7 =	vld [tilespmem:s25+$0x80];
	[tilespmem:s25+$0x10] =	vst v2;
	v2 =	vmul.f32 v62, v3  }
0x109: {  	v8 =	vld [tilespmem:s25+$0x90];
	[tilespmem:s25+$0x20] =	vst v1;
	v1 =	vmul.f32 v4, v3  }
0x10a: {  	[tilespmem:s25+$0x30] =	vst v2;
	v4 =	vmul.f32 v6, v3;
	v2 =	vld [tilespmem:s25+$0xA0]  }
0x10b: {  	v6 =	vmul.f32 v63, v3;
	[tilespmem:s25+$0x40] =	vst v1;
	v1 =	vld [tilespmem:s25+$0xB0]  }
0x10c: {  	v5 =	vmul.f32 v5, v3;
	v3 =	vld [tilespmem:s25+$0xC0];
	[tilespmem:s25+$0x50] =	vst v4  }
0x10d: {  	v7 =	vmul.f32 v0, v7;
	[tilespmem:s25+$0x60] =	vst v6;
	v4 =	vld [tilespmem:s25+$0xD0]  }
0x10e: {  	s28 =	simm.s32 $0x186;
	s29 =	simm.s32 $0x400;
	s26 =	simm.s32 $0x0;
	v6 =	vmul.f32 v8, v0;
	[tilespmem:s25+$0x70] =	vst v5;
	v5 =	vld [tilespmem:s25+$0xE0]  }
.LBB2_8:
0x10f: {  	v8 =	vld.msk [tilespmem:s28+$0x1 ss:$0x0], $0xffff;
	s26 =	sadd.s32 $0x4, s26;
	[tilespmem:s25+$0x80] =	vst v7;
	v2 =	vmul.f32 v2, v0;
	s29 =	sadd.s32 $0x200, s29  }
0x110: {  	v7 =	vld [tilespmem:s29+$0xF0];
	p1 =	slt.u32 s26, $0x9C;
	[tilespmem:s25+$0x90] =	vst v6;
	v1 =	vmul.f32 v1, v0  }
0x111: {  	v6 =	vld.msk [tilespmem:s28+$0xFFFFFFFF ss:$0x0], $0xffff;
	[tilespmem:s25+$0xA0] =	vst v2;
	v2 =	vmul.f32 v3, v0  }
0x112: {  	v3 =	vld.msk [tilespmem:s28+$0x0 ss:$0x0], $0xffff;
	[tilespmem:s25+$0xB0] =	vst v1;
	v1 =	vmul.f32 v4, v0  }
0x113: {  	v4 =	vld.msk [tilespmem:s28+$0xFFFFFFFE ss:$0x0], $0xffff;
	[tilespmem:s25+$0xC0] =	vst v2;
	v9 =	vmul.f32 v5, v0  }
0x114: {  	v2 =	vld [tilespmem:s29+$0xFFFFFF00];
	[tilespmem:s25+$0xD0] =	vst v1  }
0x115: {  	v0 =	vmov v8;
	v1 =	vld [tilespmem:s29+$0xFFFFFF10];
	v5 =	vmul.f32 v7, v8;
	[tilespmem:s25+$0xE0] =	vst v9;
	s25 =	smov.u32 s29  }
0x116: {  	v7 =	vld [tilespmem:s29+$0xFFFFFF20]  }
0x117: {  	v8 =	vld [tilespmem:s29+$0xFFFFFF30];
	[tilespmem:s29+$0xF0] =	vst v5  }
0x118: {  	v5 =	vld [tilespmem:s29+$0xFFFFFF40]  }
0x119: {  	v2 =	vmul.f32 v4, v2;
	v9 =	vld [tilespmem:s29+$0xFFFFFF50]  }
0x11a: {  	v1 =	vmul.f32 v1, v4;
	v10 =	vld [tilespmem:s29+$0xFFFFFF60]  }
0x11b: {  	[tilespmem:s29+$0xFFFFFF00] =	vst v2;
	v2 =	vmul.f32 v7, v4;
	v7 =	vld [tilespmem:s29+$0xFFFFFF70]  }
0x11c: {  	[tilespmem:s29+$0xFFFFFF10] =	vst v1;
	v1 =	vmul.f32 v8, v4;
	v8 =	vld [tilespmem:s29+$0xFFFFFF80]  }
0x11d: {  	[tilespmem:s29+$0xFFFFFF20] =	vst v2;
	v2 =	vmul.f32 v5, v4;
	v5 =	vld [tilespmem:s29+$0xFFFFFF90]  }
0x11e: {  	[tilespmem:s29+$0xFFFFFF30] =	vst v1;
	v1 =	vmul.f32 v9, v4;
	v9 =	vld [tilespmem:s29+$0xFFFFFFA0]  }
0x11f: {  	[tilespmem:s29+$0xFFFFFF40] =	vst v2;
	v2 =	vmul.f32 v10, v4;
	v10 =	vld [tilespmem:s29+$0xFFFFFFB0]  }
0x120: {  	[tilespmem:s29+$0xFFFFFF50] =	vst v1;
	v1 =	vmul.f32 v7, v4;
	v4 =	vld [tilespmem:s29+$0xFFFFFFC0]  }
0x121: {  	[tilespmem:s29+$0xFFFFFF60] =	vst v2;
	v2 =	vmul.f32 v6, v8;
	v7 =	vld [tilespmem:s29+$0xFFFFFFD0]  }
0x122: {  	[tilespmem:s29+$0xFFFFFF70] =	vst v1;
	v1 =	vmul.f32 v5, v6;
	v5 =	vld [tilespmem:s29+$0xFFFFFFE0]  }
0x123: {  	[tilespmem:s29+$0xFFFFFF80] =	vst v2;
	v2 =	vmul.f32 v9, v6;
	v8 =	vld [tilespmem:s29+$0xFFFFFFF0]  }
0x124: {  	[tilespmem:s29+$0xFFFFFF90] =	vst v1;
	v1 =	vmul.f32 v10, v6;
	v9 =	vld [tilespmem:s29+$0x0]  }
0x125: {  	[tilespmem:s29+$0xFFFFFFA0] =	vst v2;
	v2 =	vmul.f32 v4, v6;
	v4 =	vld [tilespmem:s29+$0x10]  }
0x126: {  	[tilespmem:s29+$0xFFFFFFB0] =	vst v1;
	v1 =	vmul.f32 v7, v6;
	v7 =	vld [tilespmem:s29+$0x20]  }
0x127: {  	[tilespmem:s29+$0xFFFFFFC0] =	vst v2;
	v2 =	vmul.f32 v5, v6;
	v5 =	vld [tilespmem:s29+$0x30]  }
0x128: {  	[tilespmem:s29+$0xFFFFFFD0] =	vst v1;
	v1 =	vmul.f32 v8, v6;
	v6 =	vld [tilespmem:s29+$0x40]  }
0x129: {  	[tilespmem:s29+$0xFFFFFFE0] =	vst v2;
	v2 =	vmul.f32 v3, v9;
	v8 =	vld [tilespmem:s29+$0x50]  }
0x12a: {  	[tilespmem:s29+$0xFFFFFFF0] =	vst v1;
	v1 =	vmul.f32 v4, v3;
	v4 =	vld [tilespmem:s29+$0x60]  }
0x12b: {  	[tilespmem:s29+$0x0] =	vst v2;
	v2 =	vmul.f32 v7, v3;
	v7 =	vld [tilespmem:s29+$0x70]  }
0x12c: {  	[tilespmem:s29+$0x10] =	vst v1;
	v1 =	vmul.f32 v5, v3;
	v5 =	vld [tilespmem:s29+$0x80]  }
0x12d: {  	[tilespmem:s29+$0x20] =	vst v2;
	v6 =	vmul.f32 v6, v3;
	v9 =	vld [tilespmem:s29+$0x90]  }
.Ltmp6:
0x12e: {  	[tilespmem:s29+$0x30] =	vst v1;
	v8 =	vmul.f32 v8, v3;
	v2 =	vld [tilespmem:s29+$0xA0];
	(pc) =	sbr.rel @p1 .LBB2_8-.Ltmp6, $4  }
0x12f: {  	[tilespmem:s29+$0x40] =	vst v6;
	v4 =	vmul.f32 v4, v3;
	v1 =	vld [tilespmem:s29+$0xB0]  }
0x130: {  	[tilespmem:s29+$0x50] =	vst v8;
	v6 =	vmul.f32 v7, v3;
	v3 =	vld [tilespmem:s29+$0xC0]  }
0x131: {  	[tilespmem:s29+$0x60] =	vst v4;
	v7 =	vmul.f32 v0, v5;
	v4 =	vld [tilespmem:s29+$0xD0]  }
0x132: {  	s28 =	sadd.s32 $0x4, s28;
	[tilespmem:s29+$0x70] =	vst v6;
	v6 =	vmul.f32 v9, v0;
	v5 =	vld [tilespmem:s29+$0xE0]  }
0x133: {  	[tilespmem:s25+$0x80] =	vst v7;
	v2 =	vmul.f32 v2, v0  }
0x134: {  	[tilespmem:s25+$0x90] =	vst v6;
	v1 =	vmul.f32 v1, v0  }
0x135: {  	[tilespmem:s25+$0xA0] =	vst v2;
	v2 =	vmul.f32 v3, v0  }
0x136: {  	[tilespmem:s25+$0xB0] =	vst v1;
	v1 =	vmul.f32 v4, v0  }
0x137: {  	[tilespmem:s25+$0xC0] =	vst v2;
	v0 =	vmul.f32 v5, v0  }
0x138: {  	[tilespmem:s25+$0xD0] =	vst v1  }
0x139: {  	[tilespmem:s25+$0xE0] =	vst v0  }
0x13a: {  	[hbm4b:s6+s2] =	stream.linear.scatter [tilespmem:s15], [sflag:$0x3], $0x5000, $0x38;
	[tilespmem:$0xA700] =	vst v63  }
0x13b: {  	_ =	swait.ge [sflag:s20], $0x4C00  }
0x13c: {  	[sflag:s20] =	ssyncset.done $0x0  }
0x13d: {  	s26 =	simm.s32 $0x223;
	[sflag:s20] =	ssyncadd.s32 $0xFFFFB400  }
0x13e: {  	s25 =	simm.s32 $0x5300;
	v0 =	vld.msk [tilespmem:s26+$0x0 ss:$0x0], $0xffff  }
0x13f: {  	v1 =	vld [tilespmem:s25+$0x1F0]  }
0x140: {  	v2 =	vld.msk [tilespmem:s26+$0xFFFFFFFD ss:$0x0], $0xffff  }
0x141: {  	v3 =	vld [tilespmem:s25+$0x0]  }
0x142: {  	v4 =	vld [tilespmem:s25+$0x10]  }
0x143: {  	v5 =	vld [tilespmem:s25+$0x20]  }
0x144: {  	v6 =	vld [tilespmem:s25+$0x30]  }
0x145: {  	v9 =	vld [tilespmem:s25+$0x60]  }
0x146: {  	v7 =	vld [tilespmem:s25+$0x40]  }
0x147: {  	v8 =	vld [tilespmem:s25+$0x50];
	v3 =	vmul.f32 v2, v3  }
0x148: {  	v10 =	vld.msk [tilespmem:s26+$0xFFFFFFFE ss:$0x0], $0xffff;
	v1 =	vmul.f32 v1, v0  }
0x149: {  	v11 =	vld [tilespmem:s25+$0x80];
	v4 =	vmul.f32 v4, v2;
	[tilespmem:s25+$0x0] =	vst v3  }
0x14a: {  	v61 =	vld [tilespmem:s25+$0xD0];
	v9 =	vmul.f32 v9, v2;
	[tilespmem:s25+$0x1F0] =	vst v1  }
0x14b: {  	v3 =	vld [tilespmem:s25+$0x70];
	v1 =	vmul.f32 v5, v2;
	[tilespmem:s25+$0x10] =	vst v4  }
0x14c: {  	v5 =	vld [tilespmem:s25+$0x90];
	v4 =	vmul.f32 v6, v2;
	[tilespmem:s25+$0x60] =	vst v9  }
0x14d: {  	v6 =	vld [tilespmem:s25+$0xA0];
	[tilespmem:s25+$0x20] =	vst v1;
	v1 =	vmul.f32 v7, v2  }
0x14e: {  	v7 =	vld [tilespmem:s25+$0xB0];
	[tilespmem:s25+$0x30] =	vst v4;
	v4 =	vmul.f32 v8, v2  }
0x14f: {  	v8 =	vld [tilespmem:s25+$0xC0];
	[tilespmem:s25+$0x40] =	vst v1;
	v1 =	vmul.f32 v10, v11  }
0x150: {  	[tilespmem:s25+$0x50] =	vst v4;
	v4 =	vld [tilespmem:s25+$0xE0];
	v2 =	vmul.f32 v3, v2  }
0x151: {  	v3 =	vld.msk [tilespmem:s26+$0xFFFFFFFF ss:$0x0], $0xffff;
	[tilespmem:s25+$0x80] =	vst v1;
	v1 =	vmul.f32 v5, v10  }
0x152: {  	v5 =	vld [tilespmem:s25+$0xF0];
	[tilespmem:s25+$0x70] =	vst v2;
	v2 =	vmul.f32 v6, v10  }
0x153: {  	v6 =	vld [tilespmem:s25+$0x100];
	[tilespmem:s25+$0x90] =	vst v1;
	v1 =	vmul.f32 v7, v10  }
0x154: {  	v7 =	vld [tilespmem:s25+$0x110];
	[tilespmem:s25+$0xA0] =	vst v2;
	v2 =	vmul.f32 v8, v10  }
0x155: {  	v8 =	vld [tilespmem:s25+$0x120];
	[tilespmem:s25+$0xB0] =	vst v1;
	v1 =	vmul.f32 v61, v10  }
0x156: {  	v62 =	vld [tilespmem:s25+$0x130];
	[tilespmem:s25+$0xC0] =	vst v2;
	v2 =	vmul.f32 v4, v10  }
0x157: {  	v4 =	vld [tilespmem:s25+$0x140];
	v5 =	vmul.f32 v5, v10;
	[tilespmem:s25+$0xD0] =	vst v1  }
0x158: {  	v1 =	vmul.f32 v3, v6;
	v6 =	vld [tilespmem:s25+$0x150];
	[tilespmem:s25+$0xE0] =	vst v2  }
0x159: {  	v63 =	vld [tilespmem:s25+$0x160];
	v2 =	vmul.f32 v7, v3;
	[tilespmem:s25+$0xF0] =	vst v5  }
0x15a: {  	v5 =	vld [tilespmem:s25+$0x170];
	[tilespmem:s25+$0x100] =	vst v1;
	v1 =	vmul.f32 v8, v3  }
0x15b: {  	v7 =	vld [tilespmem:s25+$0x180];
	[tilespmem:s25+$0x110] =	vst v2;
	v2 =	vmul.f32 v62, v3  }
0x15c: {  	v8 =	vld [tilespmem:s25+$0x190];
	[tilespmem:s25+$0x120] =	vst v1;
	v1 =	vmul.f32 v4, v3  }
0x15d: {  	[tilespmem:s25+$0x130] =	vst v2;
	v4 =	vmul.f32 v6, v3;
	v2 =	vld [tilespmem:s25+$0x1A0]  }
0x15e: {  	v6 =	vmul.f32 v63, v3;
	[tilespmem:s25+$0x140] =	vst v1;
	v1 =	vld [tilespmem:s25+$0x1B0]  }
0x15f: {  	v5 =	vmul.f32 v5, v3;
	v3 =	vld [tilespmem:s25+$0x1C0];
	[tilespmem:s25+$0x150] =	vst v4  }
0x160: {  	v7 =	vmul.f32 v0, v7;
	[tilespmem:s25+$0x160] =	vst v6;
	v4 =	vld [tilespmem:s25+$0x1D0]  }
0x161: {  	s28 =	simm.s32 $0x227;
	s29 =	simm.s32 $0x5300;
	s26 =	simm.s32 $0xA0;
	v6 =	vmul.f32 v8, v0;
	[tilespmem:s25+$0x170] =	vst v5;
	v5 =	vld [tilespmem:s25+$0x1E0]  }
.LBB2_10:
0x162: {  	v8 =	vld.msk [tilespmem:s28+$0x0 ss:$0x0], $0xffff;
	s26 =	sadd.s32 $0x4, s26;
	[tilespmem:s25+$0x180] =	vst v7;
	v2 =	vmul.f32 v2, v0;
	s29 =	sadd.s32 $0x200, s29  }
0x163: {  	v1 =	vmul.f32 v1, v0;
	v7 =	vld [tilespmem:s29+$0x1F0];
	p1 =	slt.u32 s26, $0x134;
	[tilespmem:s25+$0x190] =	vst v6  }
0x164: {  	v6 =	vld.msk [tilespmem:s28+$0xFFFFFFFE ss:$0x0], $0xffff;
	[tilespmem:s25+$0x1A0] =	vst v2;
	v2 =	vmul.f32 v3, v0  }
0x165: {  	v3 =	vld.msk [tilespmem:s28+$0xFFFFFFFF ss:$0x0], $0xffff;
	[tilespmem:s25+$0x1B0] =	vst v1;
	v1 =	vmul.f32 v4, v0  }
0x166: {  	v9 =	vmul.f32 v5, v0;
	v4 =	vld.msk [tilespmem:s28+$0xFFFFFFFD ss:$0x0], $0xffff;
	[tilespmem:s25+$0x1C0] =	vst v2  }
0x167: {  	v2 =	vld [tilespmem:s29+$0x0];
	[tilespmem:s25+$0x1D0] =	vst v1  }
0x168: {  	v0 =	vmov v8;
	v1 =	vld [tilespmem:s29+$0x10];
	v5 =	vmul.f32 v7, v8;
	[tilespmem:s25+$0x1E0] =	vst v9;
	s25 =	smov.u32 s29  }
0x169: {  	v7 =	vld [tilespmem:s29+$0x20]  }
0x16a: {  	v8 =	vld [tilespmem:s29+$0x30];
	[tilespmem:s29+$0x1F0] =	vst v5  }
0x16b: {  	v5 =	vld [tilespmem:s29+$0x40]  }
0x16c: {  	v2 =	vmul.f32 v4, v2;
	v9 =	vld [tilespmem:s29+$0x50]  }
0x16d: {  	v1 =	vmul.f32 v1, v4;
	v10 =	vld [tilespmem:s29+$0x60]  }
0x16e: {  	[tilespmem:s29+$0x0] =	vst v2;
	v2 =	vmul.f32 v7, v4;
	v7 =	vld [tilespmem:s29+$0x70]  }
0x16f: {  	[tilespmem:s29+$0x10] =	vst v1;
	v1 =	vmul.f32 v8, v4;
	v8 =	vld [tilespmem:s29+$0x80]  }
0x170: {  	[tilespmem:s29+$0x20] =	vst v2;
	v2 =	vmul.f32 v5, v4;
	v5 =	vld [tilespmem:s29+$0x90]  }
0x171: {  	[tilespmem:s29+$0x30] =	vst v1;
	v1 =	vmul.f32 v9, v4;
	v9 =	vld [tilespmem:s29+$0xA0]  }
0x172: {  	[tilespmem:s29+$0x40] =	vst v2;
	v2 =	vmul.f32 v10, v4;
	v10 =	vld [tilespmem:s29+$0xB0]  }
0x173: {  	[tilespmem:s29+$0x50] =	vst v1;
	v1 =	vmul.f32 v7, v4;
	v4 =	vld [tilespmem:s29+$0xC0]  }
0x174: {  	[tilespmem:s29+$0x60] =	vst v2;
	v2 =	vmul.f32 v6, v8;
	v7 =	vld [tilespmem:s29+$0xD0]  }
0x175: {  	[tilespmem:s29+$0x70] =	vst v1;
	v1 =	vmul.f32 v5, v6;
	v5 =	vld [tilespmem:s29+$0xE0]  }
0x176: {  	[tilespmem:s29+$0x80] =	vst v2;
	v2 =	vmul.f32 v9, v6;
	v8 =	vld [tilespmem:s29+$0xF0]  }
0x177: {  	[tilespmem:s29+$0x90] =	vst v1;
	v1 =	vmul.f32 v10, v6;
	v9 =	vld [tilespmem:s29+$0x100]  }
0x178: {  	[tilespmem:s29+$0xA0] =	vst v2;
	v2 =	vmul.f32 v4, v6;
	v4 =	vld [tilespmem:s29+$0x110]  }
0x179: {  	[tilespmem:s29+$0xB0] =	vst v1;
	v1 =	vmul.f32 v7, v6;
	v7 =	vld [tilespmem:s29+$0x120]  }
0x17a: {  	[tilespmem:s29+$0xC0] =	vst v2;
	v2 =	vmul.f32 v5, v6;
	v5 =	vld [tilespmem:s29+$0x130]  }
0x17b: {  	[tilespmem:s29+$0xD0] =	vst v1;
	v1 =	vmul.f32 v8, v6;
	v6 =	vld [tilespmem:s29+$0x140]  }
0x17c: {  	[tilespmem:s29+$0xE0] =	vst v2;
	v2 =	vmul.f32 v3, v9;
	v8 =	vld [tilespmem:s29+$0x150]  }
0x17d: {  	[tilespmem:s29+$0xF0] =	vst v1;
	v1 =	vmul.f32 v4, v3;
	v4 =	vld [tilespmem:s29+$0x160]  }
0x17e: {  	[tilespmem:s29+$0x100] =	vst v2;
	v2 =	vmul.f32 v7, v3;
	v7 =	vld [tilespmem:s29+$0x170]  }
0x17f: {  	[tilespmem:s29+$0x110] =	vst v1;
	v1 =	vmul.f32 v5, v3;
	v5 =	vld [tilespmem:s29+$0x180]  }
0x180: {  	[tilespmem:s29+$0x120] =	vst v2;
	v6 =	vmul.f32 v6, v3;
	v9 =	vld [tilespmem:s29+$0x190]  }
.Ltmp7:
0x181: {  	[tilespmem:s29+$0x130] =	vst v1;
	v8 =	vmul.f32 v8, v3;
	v2 =	vld [tilespmem:s29+$0x1A0];
	(pc) =	sbr.rel @p1 .LBB2_10-.Ltmp7, $4  }
0x182: {  	[tilespmem:s29+$0x140] =	vst v6;
	v4 =	vmul.f32 v4, v3;
	v1 =	vld [tilespmem:s29+$0x1B0]  }
0x183: {  	[tilespmem:s29+$0x150] =	vst v8;
	v6 =	vmul.f32 v7, v3;
	v3 =	vld [tilespmem:s29+$0x1C0]  }
0x184: {  	[tilespmem:s29+$0x160] =	vst v4;
	v7 =	vmul.f32 v0, v5;
	v4 =	vld [tilespmem:s29+$0x1D0]  }
0x185: {  	s28 =	sadd.s32 $0x4, s28;
	[tilespmem:s29+$0x170] =	vst v6;
	v6 =	vmul.f32 v9, v0;
	v5 =	vld [tilespmem:s29+$0x1E0]  }
.Ltmp8:
0x186: {  	_ = 	snop;
	(pc) =	sbr.rel .LBB2_11-.Ltmp8, $1  }
0x187: {  	_ =	sdelay $0x3  }
.LBB2_13:
0x188: {  	_ =	sfence.sel $0x180000  }
0x189: {  	[bflag:$0x0] =	sbarrier.arrive $0xFFFF  }
0x18a: {  	p0 =	sne.s32 s0, $0x0;
	_ =	strace $0x90000047  }
0x18b: {  	s0 =	sadd.s32 @!p0 $0x100000, s1;
	[bflag:$0x2] =	sbarrier.arrive $0xFFFF  }
0x18c: {  	[sflag:s0] =	ssyncadd.tile.s32 @!p0 $0x1;
	_ =	shalt  }
.Lfunc_end2:
_tile_overlayer_lowered:
.L_overlay_start_2:
0x18d: {  	(tag) =	ssettag $0x2  }
0x18e: {  	s0 =	rddreg [dreg:$0x0];
	s2 =	stileid.u32  }
0x18f: {  	s1 =	rddreg [dreg:$0x1];
	p0 =	sne.s32 s2, $0x0  }
0x190: {  	s3 =	rddreg [dreg:$0x2];
	[bflag:$0x3] =	sbarrier.arrive $0xFFFF;
	s2 =	simm.s32 @!p0 $0x1C05  }
0x191: {  	[timem:s3], [sflag:s2] =	dma.local @!p0 [hbm:s0], s1  }
0x192: {  	s0 =	simm.s32 @!p0 $0x5  }
0x193: {  	_ =	swait.ge @!p0 [sflag:s0], s1  }
0x194: {  	s1 =	ssub.s32 @!p0 $0x0, s1;
	[sflag:s0] =	ssyncset.done @!p0 $0x0  }
0x195: {  	[sflag:s0] =	ssyncadd.s32 @!p0 s1  }
0x196: {  	[bflag:$0x3] =	sbarrier.arrive $0xFFFF  }
0x197: {  	_ =	shalt  }

</sc_bundles>
